<compile_context>
chip_gen: v7x
topology: tpu7x:2x2x1
jax: 0.10.2.dev20260603
libtpu: 0.0.44.dev20260713+nightly
codegen_flags: <defaults>
</compile_context>

<pallas_src>
import functools

import jax
import jax.numpy as jnp
from jax import lax
from jax.experimental import pallas as pl
from jax.experimental.pallas import tpu as pltpu
from jax.experimental.pallas import tpu_sc as plsc

_NC = 2
_NS = 16
_LANES = 16
_CHUNK = 125
_NBUF = 10
_ZBLK = 64


_SC_PARAMS = pltpu.CompilerParams(use_tc_tiling_on_sc=False,
                                  needs_layout_passes=False)


def _sc_mesh():
    return plsc.VectorSubcoreMesh(
        core_axis_name="c", subcore_axis_name="s",
        num_cores=_NC, num_subcores=_NS)


def _sc_degree(dst_w, *, n_pad, cw):
    R = n_pad // _NS

    @functools.partial(
        pl.kernel,
        out_type=jax.ShapeDtypeStruct((_NC, n_pad), jnp.float32),
        mesh=_sc_mesh(),
        compiler_params=_SC_PARAMS,
        scratch_types=[
            pltpu.VMEM_SHARED((n_pad,), jnp.float32),
            pltpu.VMEM((cw, _CHUNK), jnp.int32),
            pltpu.VMEM((128,), jnp.float32),
            pltpu.VMEM((R,), jnp.float32),
            pltpu.SemaphoreType.DMA,
        ],
    )
    def k(dst_hbm, deg_hbm, deg_sh, dst_v, ones_v, degf, sem):
        c = lax.axis_index("c")
        s = lax.axis_index("s")
        w = c * _NS + s
        row0 = s * R

        pltpu.sync_copy(dst_hbm.at[w], dst_v)

        fzero = jnp.zeros((_LANES,), jnp.float32)
        fone = jnp.full((_LANES,), 1.0, jnp.float32)

        def ones_body(i, _):
            ones_v[pl.ds(i * _LANES, _LANES)] = fone
            return 0
        lax.fori_loop(0, 128 // _LANES, ones_body, 0)

        def zf_body(i, _):
            degf[pl.ds(i * _LANES, _LANES)] = fzero
            return 0
        lax.fori_loop(0, R // _LANES, zf_body, 0)
        pltpu.sync_copy(degf, deg_sh.at[pl.ds(row0, R)])
        plsc.subcore_barrier()

        def deg_body(g, _):
            descs = [
                pltpu.async_copy(
                    ones_v.at[pl.ds(0, _CHUNK)],
                    deg_sh.at[dst_v.at[_NBUF * g + b]], sem, add=True)
                for b in range(_NBUF)
            ]
            for dsc in descs:
                dsc.wait()
            return 0
        lax.fori_loop(0, cw // _NBUF, deg_body, 0)
        plsc.subcore_barrier()

        pltpu.sync_copy(deg_sh.at[pl.ds(row0, R)], deg_hbm.at[c, pl.ds(row0, R)])

    return k(dst_w)


def _sc_aggregate(hp, src_w, dst_w, *, n_pad, cw):
    R = n_pad // _NS

    @functools.partial(
        pl.kernel,
        out_type=jax.ShapeDtypeStruct((_NC, n_pad, _LANES), jnp.float32),
        mesh=_sc_mesh(),
        compiler_params=_SC_PARAMS,
        scratch_types=[
            pltpu.VMEM_SHARED((n_pad, _LANES), jnp.float32),
            pltpu.VMEM_SHARED((n_pad, _LANES), jnp.float32),
            pltpu.VMEM((cw, _CHUNK), jnp.int32),
            pltpu.VMEM((cw, _CHUNK), jnp.int32),
            [pltpu.VMEM((_CHUNK, _LANES), jnp.float32)
             for _ in range(_NBUF)],
            pltpu.VMEM((_ZBLK, _LANES), jnp.float32),
            pltpu.SemaphoreType.DMA,
            pltpu.SemaphoreType.DMA,
        ],
    )
    def k(hp_hbm, src_hbm, dst_hbm, acc_hbm,
          hp_sh, acc_sh, src_v, dst_v, rows, zerov, gsem, ssem):
        c = lax.axis_index("c")
        s = lax.axis_index("s")
        w = c * _NS + s
        row0 = s * R

        pltpu.sync_copy(src_hbm.at[w], src_v)
        pltpu.sync_copy(dst_hbm.at[w], dst_v)
        pltpu.sync_copy(hp_hbm.at[pl.ds(row0, R)], hp_sh.at[pl.ds(row0, R)])

        fzero = jnp.zeros((_LANES,), jnp.float32)

        def zfill_body(i, _):
            zerov[i] = fzero
            return 0
        lax.fori_loop(0, _ZBLK, zfill_body, 0)

        def zero_acc(i, _):
            pltpu.sync_copy(zerov, acc_sh.at[pl.ds(row0 + i * _ZBLK, _ZBLK)])
            return 0
        lax.fori_loop(0, R // _ZBLK, zero_acc, 0)
        plsc.subcore_barrier()

        def edge_body(g, _):
            gds = [
                pltpu.async_copy(
                    hp_sh.at[src_v.at[_NBUF * g + b]], rows[b], gsem)
                for b in range(_NBUF)
            ]
            sds = []
            for b in range(_NBUF):
                gds[b].wait()
                sds.append(pltpu.async_copy(
                    rows[b], acc_sh.at[dst_v.at[_NBUF * g + b]], ssem,
                    add=True))
            for dsc in sds:
                dsc.wait()
            return 0
        lax.fori_loop(0, cw // _NBUF, edge_body, 0)
        plsc.subcore_barrier()

        pltpu.sync_copy(acc_sh.at[pl.ds(row0, R)], acc_hbm.at[c, pl.ds(row0, R)])

    return k(hp, src_w, dst_w)


def _tc_linear(x, deg_pair, w1, b1, *, n, n_pad, h):
    def body(x_ref, d0_ref, d1_ref, w_ref, b_ref, hp_ref, dis_ref):
        acc = jnp.dot(x_ref[...], w_ref[...],
                      preferred_element_type=jnp.float32) + b_ref[...]
        rows = lax.broadcasted_iota(jnp.int32, (n_pad, h), 0)
        acc = jnp.where(rows < n, acc, 0.0)
        deg = d0_ref[...] + d1_ref[...] + 1.0
        dis = lax.rsqrt(deg)
        dis_ref[...] = dis
        hp_ref[...] = dis * acc

    d = x.shape[1]
    col = pl.BlockSpec((n_pad, 1), lambda i: (0, 0))
    return pl.pallas_call(
        body,
        grid=(1,),
        in_specs=[
            pl.BlockSpec((n_pad, d), lambda i: (0, 0)),
            col, col,
            pl.BlockSpec((d, h), lambda i: (0, 0)),
            pl.BlockSpec((1, h), lambda i: (0, 0)),
        ],
        out_specs=[pl.BlockSpec((n_pad, h), lambda i: (0, 0)), col],
        out_shape=[jax.ShapeDtypeStruct((n_pad, h), jnp.float32),
                   jax.ShapeDtypeStruct((n_pad, 1), jnp.float32)],
    )(x, deg_pair[0].reshape(n_pad, 1), deg_pair[1].reshape(n_pad, 1),
      w1, b1.reshape(1, h))


def _tc_head(a0, a1, hp, dis, w2, b2, *, n, h, c):
    n8 = -(-n // 8) * 8

    def body(a_ref, b_ref, hp_ref, dis_ref, w_ref, bias_ref, o_ref):
        z = dis_ref[...] * (a_ref[...] + b_ref[...] + hp_ref[...])
        z = jnp.maximum(z, 0.0)
        logits = jnp.dot(z, w_ref[...],
                         preferred_element_type=jnp.float32) + bias_ref[...]
        m = jnp.max(logits, axis=1, keepdims=True)
        e = jnp.exp(logits - m)
        o_ref[...] = e / jnp.sum(e, axis=1, keepdims=True)

    rows = pl.BlockSpec((n8, h), lambda i: (0, 0))
    return pl.pallas_call(
        body,
        grid=(1,),
        in_specs=[
            rows, rows, rows,
            pl.BlockSpec((n8, 1), lambda i: (0, 0)),
            pl.BlockSpec((h, c), lambda i: (0, 0)),
            pl.BlockSpec((1, c), lambda i: (0, 0)),
        ],
        out_specs=pl.BlockSpec((n8, c), lambda i: (0, 0)),
        out_shape=jax.ShapeDtypeStruct((n, c), jnp.float32),
    )(a0, a1, hp, dis, w2, b2.reshape(1, c))


def kernel(x, edge_index, W1, b1, W2, b2):
    n, d = x.shape
    h = W1.shape[1]
    c = W2.shape[1]
    e = edge_index.shape[1]

    n_pad = -(-(n + 64) // 256) * 256
    junk = n_pad - n
    epw = _NC * _NS * _CHUNK * _NBUF
    e_pad = -(-e // epw) * epw
    cw = e_pad // (_NC * _NS * _CHUNK)


    src = edge_index[0]
    dst = edge_index[1]
    pad_cnt = e_pad - e
    if pad_cnt:
        pad_idx = n + jnp.arange(pad_cnt, dtype=jnp.int32) % junk
        src = jnp.concatenate([src, pad_idx])
        dst = jnp.concatenate([dst, pad_idx])
    src_w = src.reshape(_NC * _NS, cw, _CHUNK)
    dst_w = dst.reshape(_NC * _NS, cw, _CHUNK)

    deg_pair = _sc_degree(dst_w, n_pad=n_pad, cw=cw)
    hp, dis = _tc_linear(x, deg_pair, W1, b1, n=n, n_pad=n_pad, h=h)
    acc = _sc_aggregate(hp, src_w, dst_w, n_pad=n_pad, cw=cw)
    return _tc_head(acc[0], acc[1], hp, dis, W2, b2, n=n, h=h, c=c)

# --- scband reference (transcript-rebuilt; emitter-appended) ---
"""Pipeline reference for scband-dmo-n-67723044323357 (READ-ONLY COPY).

The authoritative reference and input builder live on the scoring server;
editing this copy changes nothing except your own understanding.
"""

import jax, jax.numpy as jnp
import numpy as np

N = 10000
E = 320000
D = 128
H = 16
C = 16


def setup_inputs(seed: int = 0) -> dict:
    key = jax.random.key(seed)
    k1, k2, k3, k4, k5 = jax.random.split(key, 5)
    x = jax.random.normal(k1, (N, D), dtype=jnp.float32)
    edge_index = jax.random.randint(k2, (2, E), 0, N, dtype=jnp.int32)
    W1 = jax.random.normal(k3, (D, H), dtype=jnp.float32) * (1.0 / np.sqrt(D))
    b1 = jnp.zeros((H,), dtype=jnp.float32)
    W2 = jax.random.normal(k4, (H, C), dtype=jnp.float32) * (1.0 / np.sqrt(H))
    b2 = jnp.zeros((C,), dtype=jnp.float32)
    return {"x": x, "edge_index": edge_index, "W1": W1, "b1": b1, "W2": W2, "b2": b2}


def reference(x, edge_index, W1, b1, W2, b2):
    # GCNConv: add self-loops, symmetric normalization, linear transform, aggregate
    h = x @ W1 + b1
    src = edge_index[0]
    dst = edge_index[1]
    loop = jnp.arange(N, dtype=src.dtype)
    src = jnp.concatenate([src, loop])
    dst = jnp.concatenate([dst, loop])
    deg = jnp.zeros((N,), dtype=jnp.float32).at[dst].add(1.0)
    deg_inv_sqrt = jnp.where(deg > 0, jax.lax.rsqrt(jnp.maximum(deg, 1e-12)), 0.0)
    norm = deg_inv_sqrt[src] * deg_inv_sqrt[dst]
    msg = h[src] * norm[:, None]
    agg = jnp.zeros((N, H), dtype=jnp.float32).at[dst].add(msg)
    h_act = jax.nn.relu(agg)
    logits = h_act @ W2 + b2
    s = jax.nn.softmax(logits, axis=1)
    return s

if __name__ == "__main__":
    import jax
    _d = setup_inputs()
    print(jax.jit(kernel)(*tuple(_d.values())))

</pallas_src>

<mosaic_0001>
#map = affine_map<(d0, d1) -> (0, 0, 0)>
#map1 = affine_map<(d0, d1) -> (0, 0)>
module attributes {stable_mosaic.version = 14 : i64} {
  func.func @k(%arg0: i32, %arg1: i32, %arg2: memref<32x80x125xi32, #tpu.memory_space<hbm>>, %arg3: memref<2x10240xf32, #tpu.memory_space<hbm>>, %arg4: memref<10240xf32, #tpu.memory_space<vmem_shared>>, %arg5: memref<80x125xi32, #tpu.memory_space<vmem>>, %arg6: memref<128xf32, #tpu.memory_space<vmem>>, %arg7: memref<640xf32, #tpu.memory_space<vmem>>, %arg8: memref<!tpu.dma_semaphore, #tpu.memory_space<semaphore_mem>>) attributes {dimension_semantics = [#tpu.dimension_semantics<core_parallel>, #tpu.dimension_semantics<subcore_parallel>], iteration_bounds = array<i64: 2, 16>, scalar_prefetch = 0 : i64, scratch_operands = 5 : i64, tpu.core_type = #tpu.core_type<sc_vector_subcore>, window_params = [{transform_indices = #map}, {transform_indices = #map1}]} {
    %mul3A = arith.constant 16 : i32
    %mul3A_0 = arith.muli %arg0, %mul3A : i32
    %add3A = arith.addi %mul3A_0, %arg1 : i32
    %mul3A_1 = arith.constant 640 : i32
    %mul3A_2 = arith.muli %arg1, %mul3A_1 : i32
    "tpu.region"() ({
      %run_scoped3A = tpu.sem_alloc : memref<!tpu.dma_semaphore, #tpu.memory_space<semaphore_mem>>
      %dma_start3A = arith.constant 0 : i32
      %dma_start3A_27 = arith.constant 0 : i32
      %dma_start3A_28 = tpu.memref_slice %arg2[%add3A, %dma_start3A, %dma_start3A_27] : memref<32x80x125xi32, #tpu.memory_space<hbm>> -> memref<1x80x125xi32, #tpu.memory_space<hbm>>
      %dma_start3A_29 = tpu.memref_squeeze %dma_start3A_28 : memref<1x80x125xi32, #tpu.memory_space<hbm>> -> memref<80x125xi32, #tpu.memory_space<hbm>>
      %dma_start3A_30 = arith.constant 0 : i32
      %dma_start3A_31 = arith.constant 0 : i32
      %dma_start3A_32 = tpu.memref_slice %arg2[%add3A, %dma_start3A_30, %dma_start3A_31] : memref<32x80x125xi32, #tpu.memory_space<hbm>> -> memref<1x80x125xi32, #tpu.memory_space<hbm>>
      %dma_start3A_33 = tpu.memref_squeeze %dma_start3A_32 : memref<1x80x125xi32, #tpu.memory_space<hbm>> -> memref<80x125xi32, #tpu.memory_space<hbm>>
      tpu.enqueue_dma source(%dma_start3A_33 : memref<80x125xi32, #tpu.memory_space<hbm>>) target(%arg5 : memref<80x125xi32, #tpu.memory_space<vmem>>) target_semaphore(%run_scoped3A : memref<!tpu.dma_semaphore, #tpu.memory_space<semaphore_mem>>)
      %dma_wait3A = arith.constant 0 : i32
      %dma_wait3A_34 = arith.constant 0 : i32
      %dma_wait3A_35 = tpu.memref_slice %arg2[%add3A, %dma_wait3A, %dma_wait3A_34] : memref<32x80x125xi32, #tpu.memory_space<hbm>> -> memref<1x80x125xi32, #tpu.memory_space<hbm>>
      %dma_wait3A_36 = tpu.memref_squeeze %dma_wait3A_35 : memref<1x80x125xi32, #tpu.memory_space<hbm>> -> memref<80x125xi32, #tpu.memory_space<hbm>>
      %dma_wait3A_37 = arith.constant 0 : i32
      %dma_wait3A_38 = arith.constant 0 : i32
      %dma_wait3A_39 = tpu.memref_slice %arg2[%add3A, %dma_wait3A_37, %dma_wait3A_38] : memref<32x80x125xi32, #tpu.memory_space<hbm>> -> memref<1x80x125xi32, #tpu.memory_space<hbm>>
      %dma_wait3A_40 = tpu.memref_squeeze %dma_wait3A_39 : memref<1x80x125xi32, #tpu.memory_space<hbm>> -> memref<80x125xi32, #tpu.memory_space<hbm>>
      tpu.wait_dma2 semaphore(%run_scoped3A : memref<!tpu.dma_semaphore, #tpu.memory_space<semaphore_mem>>) src(%dma_wait3A_40 : memref<80x125xi32, #tpu.memory_space<hbm>>) dst(%arg5 : memref<80x125xi32, #tpu.memory_space<vmem>>)
      tpu.yield
    }) : () -> ()
    %broadcast_in_dim3A = arith.constant 0.000000e+00 : f32
    %broadcast_in_dim3A_3 = vector.broadcast %broadcast_in_dim3A : f32 to vector<16xf32>
    %broadcast_in_dim3A_4 = arith.constant 1.000000e+00 : f32
    %broadcast_in_dim3A_5 = vector.broadcast %broadcast_in_dim3A_4 : f32 to vector<16xf32>
    %scan3A = arith.constant 0 : i32
    %scan3A_6 = arith.constant 0 : i32
    %scan3A_7 = arith.constant 8 : i32
    %scan3A_8 = arith.addi %scan3A_6, %scan3A_7 : i32
    %scan3A_9 = arith.constant 1 : i32
    %scan3A_10 = scf.for %scan3A_27 = %scan3A_6 to %scan3A_8 step %scan3A_9 iter_args(%scan3A_28 = %scan3A) -> (i32)  : i32 {
      %mul3A_29 = arith.constant 16 : i32
      %mul3A_30 = arith.muli %scan3A_27, %mul3A_29 : i32
      %swap3A = arith.index_cast %mul3A_30 : i32 to index
      %swap3A_31 = tpu.vector_load %arg6[%swap3A] {strides = array<i32>} : memref<128xf32, #tpu.memory_space<vmem>>, vector<16xf32>,
      tpu.vector_store %arg6[%swap3A], %broadcast_in_dim3A_5 {strides = array<i32>} : memref<128xf32, #tpu.memory_space<vmem>>, vector<16xf32>,
      %scan3A_32 = arith.constant 0 : i32
      scf.yield %scan3A_32 : i32
    }
    %scan3A_11 = arith.constant 8 : i32
    %scan3A_12 = arith.constant 0 : i32
    %scan3A_13 = arith.constant 0 : i32
    %scan3A_14 = arith.constant 40 : i32
    %scan3A_15 = arith.addi %scan3A_13, %scan3A_14 : i32
    %scan3A_16 = arith.constant 1 : i32
    %scan3A_17 = scf.for %scan3A_27 = %scan3A_13 to %scan3A_15 step %scan3A_16 iter_args(%scan3A_28 = %scan3A_12) -> (i32)  : i32 {
      %mul3A_29 = arith.constant 16 : i32
      %mul3A_30 = arith.muli %scan3A_27, %mul3A_29 : i32
      %swap3A = arith.index_cast %mul3A_30 : i32 to index
      %swap3A_31 = tpu.vector_load %arg7[%swap3A] {strides = array<i32>} : memref<640xf32, #tpu.memory_space<vmem>>, vector<16xf32>,
      tpu.vector_store %arg7[%swap3A], %broadcast_in_dim3A_3 {strides = array<i32>} : memref<640xf32, #tpu.memory_space<vmem>>, vector<16xf32>,
      %scan3A_32 = arith.constant 0 : i32
      scf.yield %scan3A_32 : i32
    }
    %scan3A_18 = arith.constant 40 : i32
    "tpu.region"() ({
      %run_scoped3A = tpu.sem_alloc : memref<!tpu.dma_semaphore, #tpu.memory_space<semaphore_mem>>
      %dma_start3A = tpu.memref_slice %arg4[%mul3A_2] : memref<10240xf32, #tpu.memory_space<vmem_shared>> -> memref<640xf32, #tpu.memory_space<vmem_shared>>
      %dma_start3A_27 = tpu.memref_slice %arg4[%mul3A_2] : memref<10240xf32, #tpu.memory_space<vmem_shared>> -> memref<640xf32, #tpu.memory_space<vmem_shared>>
      tpu.enqueue_dma source(%arg7 : memref<640xf32, #tpu.memory_space<vmem>>) target(%dma_start3A_27 : memref<640xf32, #tpu.memory_space<vmem_shared>>) target_semaphore(%run_scoped3A : memref<!tpu.dma_semaphore, #tpu.memory_space<semaphore_mem>>)
      %dma_wait3A = tpu.memref_slice %arg4[%mul3A_2] : memref<10240xf32, #tpu.memory_space<vmem_shared>> -> memref<640xf32, #tpu.memory_space<vmem_shared>>
      %dma_wait3A_28 = tpu.memref_slice %arg4[%mul3A_2] : memref<10240xf32, #tpu.memory_space<vmem_shared>> -> memref<640xf32, #tpu.memory_space<vmem_shared>>
      tpu.wait_dma2 semaphore(%run_scoped3A : memref<!tpu.dma_semaphore, #tpu.memory_space<semaphore_mem>>) src(%arg7 : memref<640xf32, #tpu.memory_space<vmem>>) dst(%dma_wait3A_28 : memref<640xf32, #tpu.memory_space<vmem_shared>>)
      tpu.yield
    }) : () -> ()
    %barrier3A = arith.constant 0 : index
    tpu.barrier barrier_id(%barrier3A)
    %scan3A_19 = arith.constant 0 : i32
    %scan3A_20 = arith.constant 0 : i32
    %scan3A_21 = arith.constant 8 : i32
    %scan3A_22 = arith.addi %scan3A_20, %scan3A_21 : i32
    %scan3A_23 = arith.constant 1 : i32
    %scan3A_24 = scf.for %scan3A_27 = %scan3A_20 to %scan3A_22 step %scan3A_23 iter_args(%scan3A_28 = %scan3A_19) -> (i32)  : i32 {
      %mul3A_29 = arith.constant 10 : i32
      %mul3A_30 = arith.muli %mul3A_29, %scan3A_27 : i32
      %add3A_31 = arith.constant 0 : i32
      %add3A_32 = arith.addi %mul3A_30, %add3A_31 : i32
      %dma_start3A = arith.constant 0 : i32
      %dma_start3A_33 = tpu.memref_slice %arg6[%dma_start3A] : memref<128xf32, #tpu.memory_space<vmem>> -> memref<125xf32, #tpu.memory_space<vmem>>
      %dma_start3A_34 = arith.constant 0 : i32
      %dma_start3A_35 = tpu.memref_slice %arg5[%add3A_32, %dma_start3A_34] : memref<80x125xi32, #tpu.memory_space<vmem>> -> memref<1x125xi32, #tpu.memory_space<vmem>>
      %dma_start3A_36 = tpu.memref_squeeze %dma_start3A_35 : memref<1x125xi32, #tpu.memory_space<vmem>> -> memref<125xi32, #tpu.memory_space<vmem>>
      %dma_start3A_37 = arith.constant 0 : i32
      %dma_start3A_38 = tpu.memref_slice %arg4[%dma_start3A_37] : memref<10240xf32, #tpu.memory_space<vmem_shared>> -> memref<10240xf32, #tpu.memory_space<vmem_shared>>
      tpu.enqueue_indirect_dma source(%dma_start3A_33 : memref<125xf32, #tpu.memory_space<vmem>>) target(%dma_start3A_38 : memref<10240xf32, #tpu.memory_space<vmem_shared>>) offsets(%dma_start3A_36 : memref<125xi32, #tpu.memory_space<vmem>>) semaphore(%arg8 : memref<!tpu.dma_semaphore, #tpu.memory_space<semaphore_mem>>) {add = true}
      %mul3A_39 = arith.constant 10 : i32
      %mul3A_40 = arith.muli %mul3A_39, %scan3A_27 : i32
      %add3A_41 = arith.constant 1 : i32
      %add3A_42 = arith.addi %mul3A_40, %add3A_41 : i32
      %dma_start3A_43 = arith.constant 0 : i32
      %dma_start3A_44 = tpu.memref_slice %arg6[%dma_start3A_43] : memref<128xf32, #tpu.memory_space<vmem>> -> memref<125xf32, #tpu.memory_space<vmem>>
      %dma_start3A_45 = arith.constant 0 : i32
      %dma_start3A_46 = tpu.memref_slice %arg5[%add3A_42, %dma_start3A_45] : memref<80x125xi32, #tpu.memory_space<vmem>> -> memref<1x125xi32, #tpu.memory_space<vmem>>
      %dma_start3A_47 = tpu.memref_squeeze %dma_start3A_46 : memref<1x125xi32, #tpu.memory_space<vmem>> -> memref<125xi32, #tpu.memory_space<vmem>>
      %dma_start3A_48 = arith.constant 0 : i32
      %dma_start3A_49 = tpu.memref_slice %arg4[%dma_start3A_48] : memref<10240xf32, #tpu.memory_space<vmem_shared>> -> memref<10240xf32, #tpu.memory_space<vmem_shared>>
      tpu.enqueue_indirect_dma source(%dma_start3A_44 : memref<125xf32, #tpu.memory_space<vmem>>) target(%dma_start3A_49 : memref<10240xf32, #tpu.memory_space<vmem_shared>>) offsets(%dma_start3A_47 : memref<125xi32, #tpu.memory_space<vmem>>) semaphore(%arg8 : memref<!tpu.dma_semaphore, #tpu.memory_space<semaphore_mem>>) {add = true}
      %mul3A_50 = arith.constant 10 : i32
      %mul3A_51 = arith.muli %mul3A_50, %scan3A_27 : i32
      %add3A_52 = arith.constant 2 : i32
      %add3A_53 = arith.addi %mul3A_51, %add3A_52 : i32
      %dma_start3A_54 = arith.constant 0 : i32
      %dma_start3A_55 = tpu.memref_slice %arg6[%dma_start3A_54] : memref<128xf32, #tpu.memory_space<vmem>> -> memref<125xf32, #tpu.memory_space<vmem>>
      %dma_start3A_56 = arith.constant 0 : i32
      %dma_start3A_57 = tpu.memref_slice %arg5[%add3A_53, %dma_start3A_56] : memref<80x125xi32, #tpu.memory_space<vmem>> -> memref<1x125xi32, #tpu.memory_space<vmem>>
      %dma_start3A_58 = tpu.memref_squeeze %dma_start3A_57 : memref<1x125xi32, #tpu.memory_space<vmem>> -> memref<125xi32, #tpu.memory_space<vmem>>
      %dma_start3A_59 = arith.constant 0 : i32
      %dma_start3A_60 = tpu.memref_slice %arg4[%dma_start3A_59] : memref<10240xf32, #tpu.memory_space<vmem_shared>> -> memref<10240xf32, #tpu.memory_space<vmem_shared>>
      tpu.enqueue_indirect_dma source(%dma_start3A_55 : memref<125xf32, #tpu.memory_space<vmem>>) target(%dma_start3A_60 : memref<10240xf32, #tpu.memory_space<vmem_shared>>) offsets(%dma_start3A_58 : memref<125xi32, #tpu.memory_space<vmem>>) semaphore(%arg8 : memref<!tpu.dma_semaphore, #tpu.memory_space<semaphore_mem>>) {add = true}
      %mul3A_61 = arith.constant 10 : i32
      %mul3A_62 = arith.muli %mul3A_61, %scan3A_27 : i32
      %add3A_63 = arith.constant 3 : i32
      %add3A_64 = arith.addi %mul3A_62, %add3A_63 : i32
      %dma_start3A_65 = arith.constant 0 : i32
      %dma_start3A_66 = tpu.memref_slice %arg6[%dma_start3A_65] : memref<128xf32, #tpu.memory_space<vmem>> -> memref<125xf32, #tpu.memory_space<vmem>>
      %dma_start3A_67 = arith.constant 0 : i32
      %dma_start3A_68 = tpu.memref_slice %arg5[%add3A_64, %dma_start3A_67] : memref<80x125xi32, #tpu.memory_space<vmem>> -> memref<1x125xi32, #tpu.memory_space<vmem>>
      %dma_start3A_69 = tpu.memref_squeeze %dma_start3A_68 : memref<1x125xi32, #tpu.memory_space<vmem>> -> memref<125xi32, #tpu.memory_space<vmem>>
      %dma_start3A_70 = arith.constant 0 : i32
      %dma_start3A_71 = tpu.memref_slice %arg4[%dma_start3A_70] : memref<10240xf32, #tpu.memory_space<vmem_shared>> -> memref<10240xf32, #tpu.memory_space<vmem_shared>>
      tpu.enqueue_indirect_dma source(%dma_start3A_66 : memref<125xf32, #tpu.memory_space<vmem>>) target(%dma_start3A_71 : memref<10240xf32, #tpu.memory_space<vmem_shared>>) offsets(%dma_start3A_69 : memref<125xi32, #tpu.memory_space<vmem>>) semaphore(%arg8 : memref<!tpu.dma_semaphore, #tpu.memory_space<semaphore_mem>>) {add = true}
      %mul3A_72 = arith.constant 10 : i32
      %mul3A_73 = arith.muli %mul3A_72, %scan3A_27 : i32
      %add3A_74 = arith.constant 4 : i32
      %add3A_75 = arith.addi %mul3A_73, %add3A_74 : i32
      %dma_start3A_76 = arith.constant 0 : i32
      %dma_start3A_77 = tpu.memref_slice %arg6[%dma_start3A_76] : memref<128xf32, #tpu.memory_space<vmem>> -> memref<125xf32, #tpu.memory_space<vmem>>
      %dma_start3A_78 = arith.constant 0 : i32
      %dma_start3A_79 = tpu.memref_slice %arg5[%add3A_75, %dma_start3A_78] : memref<80x125xi32, #tpu.memory_space<vmem>> -> memref<1x125xi32, #tpu.memory_space<vmem>>
      %dma_start3A_80 = tpu.memref_squeeze %dma_start3A_79 : memref<1x125xi32, #tpu.memory_space<vmem>> -> memref<125xi32, #tpu.memory_space<vmem>>
      %dma_start3A_81 = arith.constant 0 : i32
      %dma_start3A_82 = tpu.memref_slice %arg4[%dma_start3A_81] : memref<10240xf32, #tpu.memory_space<vmem_shared>> -> memref<10240xf32, #tpu.memory_space<vmem_shared>>
      tpu.enqueue_indirect_dma source(%dma_start3A_77 : memref<125xf32, #tpu.memory_space<vmem>>) target(%dma_start3A_82 : memref<10240xf32, #tpu.memory_space<vmem_shared>>) offsets(%dma_start3A_80 : memref<125xi32, #tpu.memory_space<vmem>>) semaphore(%arg8 : memref<!tpu.dma_semaphore, #tpu.memory_space<semaphore_mem>>) {add = true}
      %mul3A_83 = arith.constant 10 : i32
      %mul3A_84 = arith.muli %mul3A_83, %scan3A_27 : i32
      %add3A_85 = arith.constant 5 : i32
      %add3A_86 = arith.addi %mul3A_84, %add3A_85 : i32
      %dma_start3A_87 = arith.constant 0 : i32
      %dma_start3A_88 = tpu.memref_slice %arg6[%dma_start3A_87] : memref<128xf32, #tpu.memory_space<vmem>> -> memref<125xf32, #tpu.memory_space<vmem>>
      %dma_start3A_89 = arith.constant 0 : i32
      %dma_start3A_90 = tpu.memref_slice %arg5[%add3A_86, %dma_start3A_89] : memref<80x125xi32, #tpu.memory_space<vmem>> -> memref<1x125xi32, #tpu.memory_space<vmem>>
      %dma_start3A_91 = tpu.memref_squeeze %dma_start3A_90 : memref<1x125xi32, #tpu.memory_space<vmem>> -> memref<125xi32, #tpu.memory_space<vmem>>
      %dma_start3A_92 = arith.constant 0 : i32
      %dma_start3A_93 = tpu.memref_slice %arg4[%dma_start3A_92] : memref<10240xf32, #tpu.memory_space<vmem_shared>> -> memref<10240xf32, #tpu.memory_space<vmem_shared>>
      tpu.enqueue_indirect_dma source(%dma_start3A_88 : memref<125xf32, #tpu.memory_space<vmem>>) target(%dma_start3A_93 : memref<10240xf32, #tpu.memory_space<vmem_shared>>) offsets(%dma_start3A_91 : memref<125xi32, #tpu.memory_space<vmem>>) semaphore(%arg8 : memref<!tpu.dma_semaphore, #tpu.memory_space<semaphore_mem>>) {add = true}
      %mul3A_94 = arith.constant 10 : i32
      %mul3A_95 = arith.muli %mul3A_94, %scan3A_27 : i32
      %add3A_96 = arith.constant 6 : i32
      %add3A_97 = arith.addi %mul3A_95, %add3A_96 : i32
      %dma_start3A_98 = arith.constant 0 : i32
      %dma_start3A_99 = tpu.memref_slice %arg6[%dma_start3A_98] : memref<128xf32, #tpu.memory_space<vmem>> -> memref<125xf32, #tpu.memory_space<vmem>>
      %dma_start3A_100 = arith.constant 0 : i32
      %dma_start3A_101 = tpu.memref_slice %arg5[%add3A_97, %dma_start3A_100] : memref<80x125xi32, #tpu.memory_space<vmem>> -> memref<1x125xi32, #tpu.memory_space<vmem>>
      %dma_start3A_102 = tpu.memref_squeeze %dma_start3A_101 : memref<1x125xi32, #tpu.memory_space<vmem>> -> memref<125xi32, #tpu.memory_space<vmem>>
      %dma_start3A_103 = arith.constant 0 : i32
      %dma_start3A_104 = tpu.memref_slice %arg4[%dma_start3A_103] : memref<10240xf32, #tpu.memory_space<vmem_shared>> -> memref<10240xf32, #tpu.memory_space<vmem_shared>>
      tpu.enqueue_indirect_dma source(%dma_start3A_99 : memref<125xf32, #tpu.memory_space<vmem>>) target(%dma_start3A_104 : memref<10240xf32, #tpu.memory_space<vmem_shared>>) offsets(%dma_start3A_102 : memref<125xi32, #tpu.memory_space<vmem>>) semaphore(%arg8 : memref<!tpu.dma_semaphore, #tpu.memory_space<semaphore_mem>>) {add = true}
      %mul3A_105 = arith.constant 10 : i32
      %mul3A_106 = arith.muli %mul3A_105, %scan3A_27 : i32
      %add3A_107 = arith.constant 7 : i32
      %add3A_108 = arith.addi %mul3A_106, %add3A_107 : i32
      %dma_start3A_109 = arith.constant 0 : i32
      %dma_start3A_110 = tpu.memref_slice %arg6[%dma_start3A_109] : memref<128xf32, #tpu.memory_space<vmem>> -> memref<125xf32, #tpu.memory_space<vmem>>
      %dma_start3A_111 = arith.constant 0 : i32
      %dma_start3A_112 = tpu.memref_slice %arg5[%add3A_108, %dma_start3A_111] : memref<80x125xi32, #tpu.memory_space<vmem>> -> memref<1x125xi32, #tpu.memory_space<vmem>>
      %dma_start3A_113 = tpu.memref_squeeze %dma_start3A_112 : memref<1x125xi32, #tpu.memory_space<vmem>> -> memref<125xi32, #tpu.memory_space<vmem>>
      %dma_start3A_114 = arith.constant 0 : i32
      %dma_start3A_115 = tpu.memref_slice %arg4[%dma_start3A_114] : memref<10240xf32, #tpu.memory_space<vmem_shared>> -> memref<10240xf32, #tpu.memory_space<vmem_shared>>
      tpu.enqueue_indirect_dma source(%dma_start3A_110 : memref<125xf32, #tpu.memory_space<vmem>>) target(%dma_start3A_115 : memref<10240xf32, #tpu.memory_space<vmem_shared>>) offsets(%dma_start3A_113 : memref<125xi32, #tpu.memory_space<vmem>>) semaphore(%arg8 : memref<!tpu.dma_semaphore, #tpu.memory_space<semaphore_mem>>) {add = true}
      %mul3A_116 = arith.constant 10 : i32
      %mul3A_117 = arith.muli %mul3A_116, %scan3A_27 : i32
      %add3A_118 = arith.constant 8 : i32
      %add3A_119 = arith.addi %mul3A_117, %add3A_118 : i32
      %dma_start3A_120 = arith.constant 0 : i32
      %dma_start3A_121 = tpu.memref_slice %arg6[%dma_start3A_120] : memref<128xf32, #tpu.memory_space<vmem>> -> memref<125xf32, #tpu.memory_space<vmem>>
      %dma_start3A_122 = arith.constant 0 : i32
      %dma_start3A_123 = tpu.memref_slice %arg5[%add3A_119, %dma_start3A_122] : memref<80x125xi32, #tpu.memory_space<vmem>> -> memref<1x125xi32, #tpu.memory_space<vmem>>
      %dma_start3A_124 = tpu.memref_squeeze %dma_start3A_123 : memref<1x125xi32, #tpu.memory_space<vmem>> -> memref<125xi32, #tpu.memory_space<vmem>>
      %dma_start3A_125 = arith.constant 0 : i32
      %dma_start3A_126 = tpu.memref_slice %arg4[%dma_start3A_125] : memref<10240xf32, #tpu.memory_space<vmem_shared>> -> memref<10240xf32, #tpu.memory_space<vmem_shared>>
      tpu.enqueue_indirect_dma source(%dma_start3A_121 : memref<125xf32, #tpu.memory_space<vmem>>) target(%dma_start3A_126 : memref<10240xf32, #tpu.memory_space<vmem_shared>>) offsets(%dma_start3A_124 : memref<125xi32, #tpu.memory_space<vmem>>) semaphore(%arg8 : memref<!tpu.dma_semaphore, #tpu.memory_space<semaphore_mem>>) {add = true}
      %mul3A_127 = arith.constant 10 : i32
      %mul3A_128 = arith.muli %mul3A_127, %scan3A_27 : i32
      %add3A_129 = arith.constant 9 : i32
      %add3A_130 = arith.addi %mul3A_128, %add3A_129 : i32
      %dma_start3A_131 = arith.constant 0 : i32
      %dma_start3A_132 = tpu.memref_slice %arg6[%dma_start3A_131] : memref<128xf32, #tpu.memory_space<vmem>> -> memref<125xf32, #tpu.memory_space<vmem>>
      %dma_start3A_133 = arith.constant 0 : i32
      %dma_start3A_134 = tpu.memref_slice %arg5[%add3A_130, %dma_start3A_133] : memref<80x125xi32, #tpu.memory_space<vmem>> -> memref<1x125xi32, #tpu.memory_space<vmem>>
      %dma_start3A_135 = tpu.memref_squeeze %dma_start3A_134 : memref<1x125xi32, #tpu.memory_space<vmem>> -> memref<125xi32, #tpu.memory_space<vmem>>
      %dma_start3A_136 = arith.constant 0 : i32
      %dma_start3A_137 = tpu.memref_slice %arg4[%dma_start3A_136] : memref<10240xf32, #tpu.memory_space<vmem_shared>> -> memref<10240xf32, #tpu.memory_space<vmem_shared>>
      tpu.enqueue_indirect_dma source(%dma_start3A_132 : memref<125xf32, #tpu.memory_space<vmem>>) target(%dma_start3A_137 : memref<10240xf32, #tpu.memory_space<vmem_shared>>) offsets(%dma_start3A_135 : memref<125xi32, #tpu.memory_space<vmem>>) semaphore(%arg8 : memref<!tpu.dma_semaphore, #tpu.memory_space<semaphore_mem>>) {add = true}
      %dma_wait3A = arith.constant 0 : i32
      %dma_wait3A_138 = tpu.memref_slice %arg6[%dma_wait3A] : memref<128xf32, #tpu.memory_space<vmem>> -> memref<125xf32, #tpu.memory_space<vmem>>
      %dma_wait3A_139 = arith.constant 0 : i32
      %dma_wait3A_140 = tpu.memref_slice %arg5[%add3A_32, %dma_wait3A_139] : memref<80x125xi32, #tpu.memory_space<vmem>> -> memref<1x125xi32, #tpu.memory_space<vmem>>
      %dma_wait3A_141 = tpu.memref_squeeze %dma_wait3A_140 : memref<1x125xi32, #tpu.memory_space<vmem>> -> memref<125xi32, #tpu.memory_space<vmem>>
      %dma_wait3A_142 = arith.constant 0 : i32
      %dma_wait3A_143 = tpu.memref_slice %arg4[%dma_wait3A_142] : memref<10240xf32, #tpu.memory_space<vmem_shared>> -> memref<10240xf32, #tpu.memory_space<vmem_shared>>
      tpu.wait_indirect_dma semaphore(%arg8 : memref<!tpu.dma_semaphore, #tpu.memory_space<semaphore_mem>>) src(%dma_wait3A_138 : memref<125xf32, #tpu.memory_space<vmem>>) dst(%dma_wait3A_143 : memref<10240xf32, #tpu.memory_space<vmem_shared>>)
      %dma_wait3A_144 = arith.constant 0 : i32
      %dma_wait3A_145 = tpu.memref_slice %arg6[%dma_wait3A_144] : memref<128xf32, #tpu.memory_space<vmem>> -> memref<125xf32, #tpu.memory_space<vmem>>
      %dma_wait3A_146 = arith.constant 0 : i32
      %dma_wait3A_147 = tpu.memref_slice %arg5[%add3A_42, %dma_wait3A_146] : memref<80x125xi32, #tpu.memory_space<vmem>> -> memref<1x125xi32, #tpu.memory_space<vmem>>
      %dma_wait3A_148 = tpu.memref_squeeze %dma_wait3A_147 : memref<1x125xi32, #tpu.memory_space<vmem>> -> memref<125xi32, #tpu.memory_space<vmem>>
      %dma_wait3A_149 = arith.constant 0 : i32
      %dma_wait3A_150 = tpu.memref_slice %arg4[%dma_wait3A_149] : memref<10240xf32, #tpu.memory_space<vmem_shared>> -> memref<10240xf32, #tpu.memory_space<vmem_shared>>
      tpu.wait_indirect_dma semaphore(%arg8 : memref<!tpu.dma_semaphore, #tpu.memory_space<semaphore_mem>>) src(%dma_wait3A_145 : memref<125xf32, #tpu.memory_space<vmem>>) dst(%dma_wait3A_150 : memref<10240xf32, #tpu.memory_space<vmem_shared>>)
      %dma_wait3A_151 = arith.constant 0 : i32
      %dma_wait3A_152 = tpu.memref_slice %arg6[%dma_wait3A_151] : memref<128xf32, #tpu.memory_space<vmem>> -> memref<125xf32, #tpu.memory_space<vmem>>
      %dma_wait3A_153 = arith.constant 0 : i32
      %dma_wait3A_154 = tpu.memref_slice %arg5[%add3A_53, %dma_wait3A_153] : memref<80x125xi32, #tpu.memory_space<vmem>> -> memref<1x125xi32, #tpu.memory_space<vmem>>
      %dma_wait3A_155 = tpu.memref_squeeze %dma_wait3A_154 : memref<1x125xi32, #tpu.memory_space<vmem>> -> memref<125xi32, #tpu.memory_space<vmem>>
      %dma_wait3A_156 = arith.constant 0 : i32
      %dma_wait3A_157 = tpu.memref_slice %arg4[%dma_wait3A_156] : memref<10240xf32, #tpu.memory_space<vmem_shared>> -> memref<10240xf32, #tpu.memory_space<vmem_shared>>
      tpu.wait_indirect_dma semaphore(%arg8 : memref<!tpu.dma_semaphore, #tpu.memory_space<semaphore_mem>>) src(%dma_wait3A_152 : memref<125xf32, #tpu.memory_space<vmem>>) dst(%dma_wait3A_157 : memref<10240xf32, #tpu.memory_space<vmem_shared>>)
      %dma_wait3A_158 = arith.constant 0 : i32
      %dma_wait3A_159 = tpu.memref_slice %arg6[%dma_wait3A_158] : memref<128xf32, #tpu.memory_space<vmem>> -> memref<125xf32, #tpu.memory_space<vmem>>
      %dma_wait3A_160 = arith.constant 0 : i32
      %dma_wait3A_161 = tpu.memref_slice %arg5[%add3A_64, %dma_wait3A_160] : memref<80x125xi32, #tpu.memory_space<vmem>> -> memref<1x125xi32, #tpu.memory_space<vmem>>
      %dma_wait3A_162 = tpu.memref_squeeze %dma_wait3A_161 : memref<1x125xi32, #tpu.memory_space<vmem>> -> memref<125xi32, #tpu.memory_space<vmem>>
      %dma_wait3A_163 = arith.constant 0 : i32
      %dma_wait3A_164 = tpu.memref_slice %arg4[%dma_wait3A_163] : memref<10240xf32, #tpu.memory_space<vmem_shared>> -> memref<10240xf32, #tpu.memory_space<vmem_shared>>
      tpu.wait_indirect_dma semaphore(%arg8 : memref<!tpu.dma_semaphore, #tpu.memory_space<semaphore_mem>>) src(%dma_wait3A_159 : memref<125xf32, #tpu.memory_space<vmem>>) dst(%dma_wait3A_164 : memref<10240xf32, #tpu.memory_space<vmem_shared>>)
      %dma_wait3A_165 = arith.constant 0 : i32
      %dma_wait3A_166 = tpu.memref_slice %arg6[%dma_wait3A_165] : memref<128xf32, #tpu.memory_space<vmem>> -> memref<125xf32, #tpu.memory_space<vmem>>
      %dma_wait3A_167 = arith.constant 0 : i32
      %dma_wait3A_168 = tpu.memref_slice %arg5[%add3A_75, %dma_wait3A_167] : memref<80x125xi32, #tpu.memory_space<vmem>> -> memref<1x125xi32, #tpu.memory_space<vmem>>
      %dma_wait3A_169 = tpu.memref_squeeze %dma_wait3A_168 : memref<1x125xi32, #tpu.memory_space<vmem>> -> memref<125xi32, #tpu.memory_space<vmem>>
      %dma_wait3A_170 = arith.constant 0 : i32
      %dma_wait3A_171 = tpu.memref_slice %arg4[%dma_wait3A_170] : memref<10240xf32, #tpu.memory_space<vmem_shared>> -> memref<10240xf32, #tpu.memory_space<vmem_shared>>
      tpu.wait_indirect_dma semaphore(%arg8 : memref<!tpu.dma_semaphore, #tpu.memory_space<semaphore_mem>>) src(%dma_wait3A_166 : memref<125xf32, #tpu.memory_space<vmem>>) dst(%dma_wait3A_171 : memref<10240xf32, #tpu.memory_space<vmem_shared>>)
      %dma_wait3A_172 = arith.constant 0 : i32
      %dma_wait3A_173 = tpu.memref_slice %arg6[%dma_wait3A_172] : memref<128xf32, #tpu.memory_space<vmem>> -> memref<125xf32, #tpu.memory_space<vmem>>
      %dma_wait3A_174 = arith.constant 0 : i32
      %dma_wait3A_175 = tpu.memref_slice %arg5[%add3A_86, %dma_wait3A_174] : memref<80x125xi32, #tpu.memory_space<vmem>> -> memref<1x125xi32, #tpu.memory_space<vmem>>
      %dma_wait3A_176 = tpu.memref_squeeze %dma_wait3A_175 : memref<1x125xi32, #tpu.memory_space<vmem>> -> memref<125xi32, #tpu.memory_space<vmem>>
      %dma_wait3A_177 = arith.constant 0 : i32
      %dma_wait3A_178 = tpu.memref_slice %arg4[%dma_wait3A_177] : memref<10240xf32, #tpu.memory_space<vmem_shared>> -> memref<10240xf32, #tpu.memory_space<vmem_shared>>
      tpu.wait_indirect_dma semaphore(%arg8 : memref<!tpu.dma_semaphore, #tpu.memory_space<semaphore_mem>>) src(%dma_wait3A_173 : memref<125xf32, #tpu.memory_space<vmem>>) dst(%dma_wait3A_178 : memref<10240xf32, #tpu.memory_space<vmem_shared>>)
      %dma_wait3A_179 = arith.constant 0 : i32
      %dma_wait3A_180 = tpu.memref_slice %arg6[%dma_wait3A_179] : memref<128xf32, #tpu.memory_space<vmem>> -> memref<125xf32, #tpu.memory_space<vmem>>
      %dma_wait3A_181 = arith.constant 0 : i32
      %dma_wait3A_182 = tpu.memref_slice %arg5[%add3A_97, %dma_wait3A_181] : memref<80x125xi32, #tpu.memory_space<vmem>> -> memref<1x125xi32, #tpu.memory_space<vmem>>
      %dma_wait3A_183 = tpu.memref_squeeze %dma_wait3A_182 : memref<1x125xi32, #tpu.memory_space<vmem>> -> memref<125xi32, #tpu.memory_space<vmem>>
      %dma_wait3A_184 = arith.constant 0 : i32
      %dma_wait3A_185 = tpu.memref_slice %arg4[%dma_wait3A_184] : memref<10240xf32, #tpu.memory_space<vmem_shared>> -> memref<10240xf32, #tpu.memory_space<vmem_shared>>
      tpu.wait_indirect_dma semaphore(%arg8 : memref<!tpu.dma_semaphore, #tpu.memory_space<semaphore_mem>>) src(%dma_wait3A_180 : memref<125xf32, #tpu.memory_space<vmem>>) dst(%dma_wait3A_185 : memref<10240xf32, #tpu.memory_space<vmem_shared>>)
      %dma_wait3A_186 = arith.constant 0 : i32
      %dma_wait3A_187 = tpu.memref_slice %arg6[%dma_wait3A_186] : memref<128xf32, #tpu.memory_space<vmem>> -> memref<125xf32, #tpu.memory_space<vmem>>
      %dma_wait3A_188 = arith.constant 0 : i32
      %dma_wait3A_189 = tpu.memref_slice %arg5[%add3A_108, %dma_wait3A_188] : memref<80x125xi32, #tpu.memory_space<vmem>> -> memref<1x125xi32, #tpu.memory_space<vmem>>
      %dma_wait3A_190 = tpu.memref_squeeze %dma_wait3A_189 : memref<1x125xi32, #tpu.memory_space<vmem>> -> memref<125xi32, #tpu.memory_space<vmem>>
      %dma_wait3A_191 = arith.constant 0 : i32
      %dma_wait3A_192 = tpu.memref_slice %arg4[%dma_wait3A_191] : memref<10240xf32, #tpu.memory_space<vmem_shared>> -> memref<10240xf32, #tpu.memory_space<vmem_shared>>
      tpu.wait_indirect_dma semaphore(%arg8 : memref<!tpu.dma_semaphore, #tpu.memory_space<semaphore_mem>>) src(%dma_wait3A_187 : memref<125xf32, #tpu.memory_space<vmem>>) dst(%dma_wait3A_192 : memref<10240xf32, #tpu.memory_space<vmem_shared>>)
      %dma_wait3A_193 = arith.constant 0 : i32
      %dma_wait3A_194 = tpu.memref_slice %arg6[%dma_wait3A_193] : memref<128xf32, #tpu.memory_space<vmem>> -> memref<125xf32, #tpu.memory_space<vmem>>
      %dma_wait3A_195 = arith.constant 0 : i32
      %dma_wait3A_196 = tpu.memref_slice %arg5[%add3A_119, %dma_wait3A_195] : memref<80x125xi32, #tpu.memory_space<vmem>> -> memref<1x125xi32, #tpu.memory_space<vmem>>
      %dma_wait3A_197 = tpu.memref_squeeze %dma_wait3A_196 : memref<1x125xi32, #tpu.memory_space<vmem>> -> memref<125xi32, #tpu.memory_space<vmem>>
      %dma_wait3A_198 = arith.constant 0 : i32
      %dma_wait3A_199 = tpu.memref_slice %arg4[%dma_wait3A_198] : memref<10240xf32, #tpu.memory_space<vmem_shared>> -> memref<10240xf32, #tpu.memory_space<vmem_shared>>
      tpu.wait_indirect_dma semaphore(%arg8 : memref<!tpu.dma_semaphore, #tpu.memory_space<semaphore_mem>>) src(%dma_wait3A_194 : memref<125xf32, #tpu.memory_space<vmem>>) dst(%dma_wait3A_199 : memref<10240xf32, #tpu.memory_space<vmem_shared>>)
      %dma_wait3A_200 = arith.constant 0 : i32
      %dma_wait3A_201 = tpu.memref_slice %arg6[%dma_wait3A_200] : memref<128xf32, #tpu.memory_space<vmem>> -> memref<125xf32, #tpu.memory_space<vmem>>
      %dma_wait3A_202 = arith.constant 0 : i32
      %dma_wait3A_203 = tpu.memref_slice %arg5[%add3A_130, %dma_wait3A_202] : memref<80x125xi32, #tpu.memory_space<vmem>> -> memref<1x125xi32, #tpu.memory_space<vmem>>
      %dma_wait3A_204 = tpu.memref_squeeze %dma_wait3A_203 : memref<1x125xi32, #tpu.memory_space<vmem>> -> memref<125xi32, #tpu.memory_space<vmem>>
      %dma_wait3A_205 = arith.constant 0 : i32
      %dma_wait3A_206 = tpu.memref_slice %arg4[%dma_wait3A_205] : memref<10240xf32, #tpu.memory_space<vmem_shared>> -> memref<10240xf32, #tpu.memory_space<vmem_shared>>
      tpu.wait_indirect_dma semaphore(%arg8 : memref<!tpu.dma_semaphore, #tpu.memory_space<semaphore_mem>>) src(%dma_wait3A_201 : memref<125xf32, #tpu.memory_space<vmem>>) dst(%dma_wait3A_206 : memref<10240xf32, #tpu.memory_space<vmem_shared>>)
      %scan3A_207 = arith.constant 0 : i32
      scf.yield %scan3A_207 : i32
    }
    %scan3A_25 = arith.constant 8 : i32
    %barrier3A_26 = arith.constant 0 : index
    tpu.barrier barrier_id(%barrier3A_26)
    "tpu.region"() ({
      %run_scoped3A = tpu.sem_alloc : memref<!tpu.dma_semaphore, #tpu.memory_space<semaphore_mem>>
      %dma_start3A = tpu.memref_slice %arg3[%arg0, %mul3A_2] : memref<2x10240xf32, #tpu.memory_space<hbm>> -> memref<1x640xf32, #tpu.memory_space<hbm>>
      %dma_start3A_27 = tpu.memref_squeeze %dma_start3A : memref<1x640xf32, #tpu.memory_space<hbm>> -> memref<640xf32, #tpu.memory_space<hbm>>
      %dma_start3A_28 = tpu.memref_slice %arg4[%mul3A_2] : memref<10240xf32, #tpu.memory_space<vmem_shared>> -> memref<640xf32, #tpu.memory_space<vmem_shared>>
      tpu.enqueue_dma source(%dma_start3A_28 : memref<640xf32, #tpu.memory_space<vmem_shared>>) target(%dma_start3A_27 : memref<640xf32, #tpu.memory_space<hbm>>) target_semaphore(%run_scoped3A : memref<!tpu.dma_semaphore, #tpu.memory_space<semaphore_mem>>)
      %dma_wait3A = tpu.memref_slice %arg3[%arg0, %mul3A_2] : memref<2x10240xf32, #tpu.memory_space<hbm>> -> memref<1x640xf32, #tpu.memory_space<hbm>>
      %dma_wait3A_29 = tpu.memref_squeeze %dma_wait3A : memref<1x640xf32, #tpu.memory_space<hbm>> -> memref<640xf32, #tpu.memory_space<hbm>>
      %dma_wait3A_30 = tpu.memref_slice %arg4[%mul3A_2] : memref<10240xf32, #tpu.memory_space<vmem_shared>> -> memref<640xf32, #tpu.memory_space<vmem_shared>>
      tpu.wait_dma2 semaphore(%run_scoped3A : memref<!tpu.dma_semaphore, #tpu.memory_space<semaphore_mem>>) src(%dma_wait3A_30 : memref<640xf32, #tpu.memory_space<vmem_shared>>) dst(%dma_wait3A_29 : memref<640xf32, #tpu.memory_space<hbm>>)
      tpu.yield
    }) : () -> ()
    return
  }
}

#map = affine_map<(d0, d1) -> (0, 0)>
#map1 = affine_map<(d0, d1) -> (0, 0, 0)>
module attributes {stable_mosaic.version = 14 : i64} {
  func.func @k(%arg0: i32, %arg1: i32, %arg2: memref<10240x16xf32, #tpu.memory_space<hbm>>, %arg3: memref<32x80x125xi32, #tpu.memory_space<hbm>>, %arg4: memref<32x80x125xi32, #tpu.memory_space<hbm>>, %arg5: memref<2x10240x16xf32, #tpu.memory_space<hbm>>, %arg6: memref<10240x16xf32, #tpu.memory_space<vmem_shared>>, %arg7: memref<10240x16xf32, #tpu.memory_space<vmem_shared>>, %arg8: memref<80x125xi32, #tpu.memory_space<vmem>>, %arg9: memref<80x125xi32, #tpu.memory_space<vmem>>, %arg10: memref<125x16xf32, #tpu.memory_space<vmem>>, %arg11: memref<125x16xf32, #tpu.memory_space<vmem>>, %arg12: memref<125x16xf32, #tpu.memory_space<vmem>>, %arg13: memref<125x16xf32, #tpu.memory_space<vmem>>, %arg14: memref<125x16xf32, #tpu.memory_space<vmem>>, %arg15: memref<125x16xf32, #tpu.memory_space<vmem>>, %arg16: memref<125x16xf32, #tpu.memory_space<vmem>>, %arg17: memref<125x16xf32, #tpu.memory_space<vmem>>, %arg18: memref<125x16xf32, #tpu.memory_space<vmem>>, %arg19: memref<125x16xf32, #tpu.memory_space<vmem>>, %arg20: memref<64x16xf32, #tpu.memory_space<vmem>>, %arg21: memref<!tpu.dma_semaphore, #tpu.memory_space<semaphore_mem>>, %arg22: memref<!tpu.dma_semaphore, #tpu.memory_space<semaphore_mem>>) attributes {dimension_semantics = [#tpu.dimension_semantics<core_parallel>, #tpu.dimension_semantics<subcore_parallel>], iteration_bounds = array<i64: 2, 16>, scalar_prefetch = 0 : i64, scratch_operands = 17 : i64, tpu.core_type = #tpu.core_type<sc_vector_subcore>, window_params = [{transform_indices = #map}, {transform_indices = #map1}, {transform_indices = #map1}, {transform_indices = #map1}]} {
    %mul3A = arith.constant 16 : i32
    %mul3A_0 = arith.muli %arg0, %mul3A : i32
    %add3A = arith.addi %mul3A_0, %arg1 : i32
    %mul3A_1 = arith.constant 640 : i32
    %mul3A_2 = arith.muli %arg1, %mul3A_1 : i32
    "tpu.region"() ({
      %run_scoped3A = tpu.sem_alloc : memref<!tpu.dma_semaphore, #tpu.memory_space<semaphore_mem>>
      %dma_start3A = arith.constant 0 : i32
      %dma_start3A_25 = arith.constant 0 : i32
      %dma_start3A_26 = tpu.memref_slice %arg3[%add3A, %dma_start3A, %dma_start3A_25] : memref<32x80x125xi32, #tpu.memory_space<hbm>> -> memref<1x80x125xi32, #tpu.memory_space<hbm>>
      %dma_start3A_27 = tpu.memref_squeeze %dma_start3A_26 : memref<1x80x125xi32, #tpu.memory_space<hbm>> -> memref<80x125xi32, #tpu.memory_space<hbm>>
      %dma_start3A_28 = arith.constant 0 : i32
      %dma_start3A_29 = arith.constant 0 : i32
      %dma_start3A_30 = tpu.memref_slice %arg3[%add3A, %dma_start3A_28, %dma_start3A_29] : memref<32x80x125xi32, #tpu.memory_space<hbm>> -> memref<1x80x125xi32, #tpu.memory_space<hbm>>
      %dma_start3A_31 = tpu.memref_squeeze %dma_start3A_30 : memref<1x80x125xi32, #tpu.memory_space<hbm>> -> memref<80x125xi32, #tpu.memory_space<hbm>>
      tpu.enqueue_dma source(%dma_start3A_31 : memref<80x125xi32, #tpu.memory_space<hbm>>) target(%arg8 : memref<80x125xi32, #tpu.memory_space<vmem>>) target_semaphore(%run_scoped3A : memref<!tpu.dma_semaphore, #tpu.memory_space<semaphore_mem>>)
      %dma_wait3A = arith.constant 0 : i32
      %dma_wait3A_32 = arith.constant 0 : i32
      %dma_wait3A_33 = tpu.memref_slice %arg3[%add3A, %dma_wait3A, %dma_wait3A_32] : memref<32x80x125xi32, #tpu.memory_space<hbm>> -> memref<1x80x125xi32, #tpu.memory_space<hbm>>
      %dma_wait3A_34 = tpu.memref_squeeze %dma_wait3A_33 : memref<1x80x125xi32, #tpu.memory_space<hbm>> -> memref<80x125xi32, #tpu.memory_space<hbm>>
      %dma_wait3A_35 = arith.constant 0 : i32
      %dma_wait3A_36 = arith.constant 0 : i32
      %dma_wait3A_37 = tpu.memref_slice %arg3[%add3A, %dma_wait3A_35, %dma_wait3A_36] : memref<32x80x125xi32, #tpu.memory_space<hbm>> -> memref<1x80x125xi32, #tpu.memory_space<hbm>>
      %dma_wait3A_38 = tpu.memref_squeeze %dma_wait3A_37 : memref<1x80x125xi32, #tpu.memory_space<hbm>> -> memref<80x125xi32, #tpu.memory_space<hbm>>
      tpu.wait_dma2 semaphore(%run_scoped3A : memref<!tpu.dma_semaphore, #tpu.memory_space<semaphore_mem>>) src(%dma_wait3A_38 : memref<80x125xi32, #tpu.memory_space<hbm>>) dst(%arg8 : memref<80x125xi32, #tpu.memory_space<vmem>>)
      tpu.yield
    }) : () -> ()
    "tpu.region"() ({
      %run_scoped3A = tpu.sem_alloc : memref<!tpu.dma_semaphore, #tpu.memory_space<semaphore_mem>>
      %dma_start3A = arith.constant 0 : i32
      %dma_start3A_25 = arith.constant 0 : i32
      %dma_start3A_26 = tpu.memref_slice %arg4[%add3A, %dma_start3A, %dma_start3A_25] : memref<32x80x125xi32, #tpu.memory_space<hbm>> -> memref<1x80x125xi32, #tpu.memory_space<hbm>>
      %dma_start3A_27 = tpu.memref_squeeze %dma_start3A_26 : memref<1x80x125xi32, #tpu.memory_space<hbm>> -> memref<80x125xi32, #tpu.memory_space<hbm>>
      %dma_start3A_28 = arith.constant 0 : i32
      %dma_start3A_29 = arith.constant 0 : i32
      %dma_start3A_30 = tpu.memref_slice %arg4[%add3A, %dma_start3A_28, %dma_start3A_29] : memref<32x80x125xi32, #tpu.memory_space<hbm>> -> memref<1x80x125xi32, #tpu.memory_space<hbm>>
      %dma_start3A_31 = tpu.memref_squeeze %dma_start3A_30 : memref<1x80x125xi32, #tpu.memory_space<hbm>> -> memref<80x125xi32, #tpu.memory_space<hbm>>
      tpu.enqueue_dma source(%dma_start3A_31 : memref<80x125xi32, #tpu.memory_space<hbm>>) target(%arg9 : memref<80x125xi32, #tpu.memory_space<vmem>>) target_semaphore(%run_scoped3A : memref<!tpu.dma_semaphore, #tpu.memory_space<semaphore_mem>>)
      %dma_wait3A = arith.constant 0 : i32
      %dma_wait3A_32 = arith.constant 0 : i32
      %dma_wait3A_33 = tpu.memref_slice %arg4[%add3A, %dma_wait3A, %dma_wait3A_32] : memref<32x80x125xi32, #tpu.memory_space<hbm>> -> memref<1x80x125xi32, #tpu.memory_space<hbm>>
      %dma_wait3A_34 = tpu.memref_squeeze %dma_wait3A_33 : memref<1x80x125xi32, #tpu.memory_space<hbm>> -> memref<80x125xi32, #tpu.memory_space<hbm>>
      %dma_wait3A_35 = arith.constant 0 : i32
      %dma_wait3A_36 = arith.constant 0 : i32
      %dma_wait3A_37 = tpu.memref_slice %arg4[%add3A, %dma_wait3A_35, %dma_wait3A_36] : memref<32x80x125xi32, #tpu.memory_space<hbm>> -> memref<1x80x125xi32, #tpu.memory_space<hbm>>
      %dma_wait3A_38 = tpu.memref_squeeze %dma_wait3A_37 : memref<1x80x125xi32, #tpu.memory_space<hbm>> -> memref<80x125xi32, #tpu.memory_space<hbm>>
      tpu.wait_dma2 semaphore(%run_scoped3A : memref<!tpu.dma_semaphore, #tpu.memory_space<semaphore_mem>>) src(%dma_wait3A_38 : memref<80x125xi32, #tpu.memory_space<hbm>>) dst(%arg9 : memref<80x125xi32, #tpu.memory_space<vmem>>)
      tpu.yield
    }) : () -> ()
    "tpu.region"() ({
      %run_scoped3A = tpu.sem_alloc : memref<!tpu.dma_semaphore, #tpu.memory_space<semaphore_mem>>
      %dma_start3A = arith.constant 0 : i32
      %dma_start3A_25 = tpu.memref_slice %arg6[%mul3A_2, %dma_start3A] : memref<10240x16xf32, #tpu.memory_space<vmem_shared>> -> memref<640x16xf32, #tpu.memory_space<vmem_shared>>
      %dma_start3A_26 = arith.constant 0 : i32
      %dma_start3A_27 = tpu.memref_slice %arg2[%mul3A_2, %dma_start3A_26] : memref<10240x16xf32, #tpu.memory_space<hbm>> -> memref<640x16xf32, #tpu.memory_space<hbm>>
      tpu.enqueue_dma source(%dma_start3A_27 : memref<640x16xf32, #tpu.memory_space<hbm>>) target(%dma_start3A_25 : memref<640x16xf32, #tpu.memory_space<vmem_shared>>) target_semaphore(%run_scoped3A : memref<!tpu.dma_semaphore, #tpu.memory_space<semaphore_mem>>)
      %dma_wait3A = arith.constant 0 : i32
      %dma_wait3A_28 = tpu.memref_slice %arg6[%mul3A_2, %dma_wait3A] : memref<10240x16xf32, #tpu.memory_space<vmem_shared>> -> memref<640x16xf32, #tpu.memory_space<vmem_shared>>
      %dma_wait3A_29 = arith.constant 0 : i32
      %dma_wait3A_30 = tpu.memref_slice %arg2[%mul3A_2, %dma_wait3A_29] : memref<10240x16xf32, #tpu.memory_space<hbm>> -> memref<640x16xf32, #tpu.memory_space<hbm>>
      tpu.wait_dma2 semaphore(%run_scoped3A : memref<!tpu.dma_semaphore, #tpu.memory_space<semaphore_mem>>) src(%dma_wait3A_30 : memref<640x16xf32, #tpu.memory_space<hbm>>) dst(%dma_wait3A_28 : memref<640x16xf32, #tpu.memory_space<vmem_shared>>)
      tpu.yield
    }) : () -> ()
    %broadcast_in_dim3A = arith.constant 0.000000e+00 : f32
    %broadcast_in_dim3A_3 = vector.broadcast %broadcast_in_dim3A : f32 to vector<16xf32>
    %scan3A = arith.constant 0 : i32
    %scan3A_4 = arith.constant 0 : i32
    %scan3A_5 = arith.constant 64 : i32
    %scan3A_6 = arith.addi %scan3A_4, %scan3A_5 : i32
    %scan3A_7 = arith.constant 1 : i32
    %scan3A_8 = scf.for %scan3A_25 = %scan3A_4 to %scan3A_6 step %scan3A_7 iter_args(%scan3A_26 = %scan3A) -> (i32)  : i32 {
      %swap3A = arith.index_cast %scan3A_25 : i32 to index
      %swap3A_27 = arith.constant 0 : index
      %swap3A_28 = tpu.vector_load %arg20[%swap3A, %swap3A_27] {strides = array<i32>} : memref<64x16xf32, #tpu.memory_space<vmem>>, vector<16xf32>,
      tpu.vector_store %arg20[%swap3A, %swap3A_27], %broadcast_in_dim3A_3 {strides = array<i32>} : memref<64x16xf32, #tpu.memory_space<vmem>>, vector<16xf32>,
      %scan3A_29 = arith.constant 0 : i32
      scf.yield %scan3A_29 : i32
    }
    %scan3A_9 = arith.constant 64 : i32
    %scan3A_10 = arith.constant 0 : i32
    %scan3A_11 = arith.constant 0 : i32
    %scan3A_12 = arith.constant 10 : i32
    %scan3A_13 = arith.addi %scan3A_11, %scan3A_12 : i32
    %scan3A_14 = arith.constant 1 : i32
    %scan3A_15 = scf.for %scan3A_25 = %scan3A_11 to %scan3A_13 step %scan3A_14 iter_args(%scan3A_26 = %scan3A_10) -> (i32)  : i32 {
      %mul3A_27 = arith.constant 64 : i32
      %mul3A_28 = arith.muli %scan3A_25, %mul3A_27 : i32
      %add3A_29 = arith.addi %mul3A_2, %mul3A_28 : i32
      "tpu.region"() ({
        %run_scoped3A = tpu.sem_alloc : memref<!tpu.dma_semaphore, #tpu.memory_space<semaphore_mem>>
        %dma_start3A = arith.constant 0 : i32
        %dma_start3A_31 = tpu.memref_slice %arg7[%add3A_29, %dma_start3A] : memref<10240x16xf32, #tpu.memory_space<vmem_shared>> -> memref<64x16xf32, #tpu.memory_space<vmem_shared>>
        %dma_start3A_32 = arith.constant 0 : i32
        %dma_start3A_33 = tpu.memref_slice %arg7[%add3A_29, %dma_start3A_32] : memref<10240x16xf32, #tpu.memory_space<vmem_shared>> -> memref<64x16xf32, #tpu.memory_space<vmem_shared>>
        tpu.enqueue_dma source(%arg20 : memref<64x16xf32, #tpu.memory_space<vmem>>) target(%dma_start3A_33 : memref<64x16xf32, #tpu.memory_space<vmem_shared>>) target_semaphore(%run_scoped3A : memref<!tpu.dma_semaphore, #tpu.memory_space<semaphore_mem>>)
        %dma_wait3A = arith.constant 0 : i32
        %dma_wait3A_34 = tpu.memref_slice %arg7[%add3A_29, %dma_wait3A] : memref<10240x16xf32, #tpu.memory_space<vmem_shared>> -> memref<64x16xf32, #tpu.memory_space<vmem_shared>>
        %dma_wait3A_35 = arith.constant 0 : i32
        %dma_wait3A_36 = tpu.memref_slice %arg7[%add3A_29, %dma_wait3A_35] : memref<10240x16xf32, #tpu.memory_space<vmem_shared>> -> memref<64x16xf32, #tpu.memory_space<vmem_shared>>
        tpu.wait_dma2 semaphore(%run_scoped3A : memref<!tpu.dma_semaphore, #tpu.memory_space<semaphore_mem>>) src(%arg20 : memref<64x16xf32, #tpu.memory_space<vmem>>) dst(%dma_wait3A_36 : memref<64x16xf32, #tpu.memory_space<vmem_shared>>)
        tpu.yield
      }) : () -> ()
      %scan3A_30 = arith.constant 0 : i32
      scf.yield %scan3A_30 : i32
    }
    %scan3A_16 = arith.constant 10 : i32
    %barrier3A = arith.constant 0 : index
    tpu.barrier barrier_id(%barrier3A)
    %scan3A_17 = arith.constant 0 : i32
    %scan3A_18 = arith.constant 0 : i32
    %scan3A_19 = arith.constant 8 : i32
    %scan3A_20 = arith.addi %scan3A_18, %scan3A_19 : i32
    %scan3A_21 = arith.constant 1 : i32
    %scan3A_22 = scf.for %scan3A_25 = %scan3A_18 to %scan3A_20 step %scan3A_21 iter_args(%scan3A_26 = %scan3A_17) -> (i32)  : i32 {
      %mul3A_27 = arith.constant 10 : i32
      %mul3A_28 = arith.muli %mul3A_27, %scan3A_25 : i32
      %add3A_29 = arith.constant 0 : i32
      %add3A_30 = arith.addi %mul3A_28, %add3A_29 : i32
      %dma_start3A = arith.constant 0 : i32
      %dma_start3A_31 = tpu.memref_slice %arg8[%add3A_30, %dma_start3A] : memref<80x125xi32, #tpu.memory_space<vmem>> -> memref<1x125xi32, #tpu.memory_space<vmem>>
      %dma_start3A_32 = tpu.memref_squeeze %dma_start3A_31 : memref<1x125xi32, #tpu.memory_space<vmem>> -> memref<125xi32, #tpu.memory_space<vmem>>
      %dma_start3A_33 = arith.constant 0 : i32
      %dma_start3A_34 = arith.constant 0 : i32
      %dma_start3A_35 = tpu.memref_slice %arg6[%dma_start3A_33, %dma_start3A_34] : memref<10240x16xf32, #tpu.memory_space<vmem_shared>> -> memref<10240x16xf32, #tpu.memory_space<vmem_shared>>
      tpu.enqueue_indirect_dma source(%dma_start3A_35 : memref<10240x16xf32, #tpu.memory_space<vmem_shared>>) target(%arg10 : memref<125x16xf32, #tpu.memory_space<vmem>>) offsets(%dma_start3A_32 : memref<125xi32, #tpu.memory_space<vmem>>) semaphore(%arg21 : memref<!tpu.dma_semaphore, #tpu.memory_space<semaphore_mem>>)
      %mul3A_36 = arith.constant 10 : i32
      %mul3A_37 = arith.muli %mul3A_36, %scan3A_25 : i32
      %add3A_38 = arith.constant 1 : i32
      %add3A_39 = arith.addi %mul3A_37, %add3A_38 : i32
      %dma_start3A_40 = arith.constant 0 : i32
      %dma_start3A_41 = tpu.memref_slice %arg8[%add3A_39, %dma_start3A_40] : memref<80x125xi32, #tpu.memory_space<vmem>> -> memref<1x125xi32, #tpu.memory_space<vmem>>
      %dma_start3A_42 = tpu.memref_squeeze %dma_start3A_41 : memref<1x125xi32, #tpu.memory_space<vmem>> -> memref<125xi32, #tpu.memory_space<vmem>>
      %dma_start3A_43 = arith.constant 0 : i32
      %dma_start3A_44 = arith.constant 0 : i32
      %dma_start3A_45 = tpu.memref_slice %arg6[%dma_start3A_43, %dma_start3A_44] : memref<10240x16xf32, #tpu.memory_space<vmem_shared>> -> memref<10240x16xf32, #tpu.memory_space<vmem_shared>>
      tpu.enqueue_indirect_dma source(%dma_start3A_45 : memref<10240x16xf32, #tpu.memory_space<vmem_shared>>) target(%arg11 : memref<125x16xf32, #tpu.memory_space<vmem>>) offsets(%dma_start3A_42 : memref<125xi32, #tpu.memory_space<vmem>>) semaphore(%arg21 : memref<!tpu.dma_semaphore, #tpu.memory_space<semaphore_mem>>)
      %mul3A_46 = arith.constant 10 : i32
      %mul3A_47 = arith.muli %mul3A_46, %scan3A_25 : i32
      %add3A_48 = arith.constant 2 : i32
      %add3A_49 = arith.addi %mul3A_47, %add3A_48 : i32
      %dma_start3A_50 = arith.constant 0 : i32
      %dma_start3A_51 = tpu.memref_slice %arg8[%add3A_49, %dma_start3A_50] : memref<80x125xi32, #tpu.memory_space<vmem>> -> memref<1x125xi32, #tpu.memory_space<vmem>>
      %dma_start3A_52 = tpu.memref_squeeze %dma_start3A_51 : memref<1x125xi32, #tpu.memory_space<vmem>> -> memref<125xi32, #tpu.memory_space<vmem>>
      %dma_start3A_53 = arith.constant 0 : i32
      %dma_start3A_54 = arith.constant 0 : i32
      %dma_start3A_55 = tpu.memref_slice %arg6[%dma_start3A_53, %dma_start3A_54] : memref<10240x16xf32, #tpu.memory_space<vmem_shared>> -> memref<10240x16xf32, #tpu.memory_space<vmem_shared>>
      tpu.enqueue_indirect_dma source(%dma_start3A_55 : memref<10240x16xf32, #tpu.memory_space<vmem_shared>>) target(%arg12 : memref<125x16xf32, #tpu.memory_space<vmem>>) offsets(%dma_start3A_52 : memref<125xi32, #tpu.memory_space<vmem>>) semaphore(%arg21 : memref<!tpu.dma_semaphore, #tpu.memory_space<semaphore_mem>>)
      %mul3A_56 = arith.constant 10 : i32
      %mul3A_57 = arith.muli %mul3A_56, %scan3A_25 : i32
      %add3A_58 = arith.constant 3 : i32
      %add3A_59 = arith.addi %mul3A_57, %add3A_58 : i32
      %dma_start3A_60 = arith.constant 0 : i32
      %dma_start3A_61 = tpu.memref_slice %arg8[%add3A_59, %dma_start3A_60] : memref<80x125xi32, #tpu.memory_space<vmem>> -> memref<1x125xi32, #tpu.memory_space<vmem>>
      %dma_start3A_62 = tpu.memref_squeeze %dma_start3A_61 : memref<1x125xi32, #tpu.memory_space<vmem>> -> memref<125xi32, #tpu.memory_space<vmem>>
      %dma_start3A_63 = arith.constant 0 : i32
      %dma_start3A_64 = arith.constant 0 : i32
      %dma_start3A_65 = tpu.memref_slice %arg6[%dma_start3A_63, %dma_start3A_64] : memref<10240x16xf32, #tpu.memory_space<vmem_shared>> -> memref<10240x16xf32, #tpu.memory_space<vmem_shared>>
      tpu.enqueue_indirect_dma source(%dma_start3A_65 : memref<10240x16xf32, #tpu.memory_space<vmem_shared>>) target(%arg13 : memref<125x16xf32, #tpu.memory_space<vmem>>) offsets(%dma_start3A_62 : memref<125xi32, #tpu.memory_space<vmem>>) semaphore(%arg21 : memref<!tpu.dma_semaphore, #tpu.memory_space<semaphore_mem>>)
      %mul3A_66 = arith.constant 10 : i32
      %mul3A_67 = arith.muli %mul3A_66, %scan3A_25 : i32
      %add3A_68 = arith.constant 4 : i32
      %add3A_69 = arith.addi %mul3A_67, %add3A_68 : i32
      %dma_start3A_70 = arith.constant 0 : i32
      %dma_start3A_71 = tpu.memref_slice %arg8[%add3A_69, %dma_start3A_70] : memref<80x125xi32, #tpu.memory_space<vmem>> -> memref<1x125xi32, #tpu.memory_space<vmem>>
      %dma_start3A_72 = tpu.memref_squeeze %dma_start3A_71 : memref<1x125xi32, #tpu.memory_space<vmem>> -> memref<125xi32, #tpu.memory_space<vmem>>
      %dma_start3A_73 = arith.constant 0 : i32
      %dma_start3A_74 = arith.constant 0 : i32
      %dma_start3A_75 = tpu.memref_slice %arg6[%dma_start3A_73, %dma_start3A_74] : memref<10240x16xf32, #tpu.memory_space<vmem_shared>> -> memref<10240x16xf32, #tpu.memory_space<vmem_shared>>
      tpu.enqueue_indirect_dma source(%dma_start3A_75 : memref<10240x16xf32, #tpu.memory_space<vmem_shared>>) target(%arg14 : memref<125x16xf32, #tpu.memory_space<vmem>>) offsets(%dma_start3A_72 : memref<125xi32, #tpu.memory_space<vmem>>) semaphore(%arg21 : memref<!tpu.dma_semaphore, #tpu.memory_space<semaphore_mem>>)
      %mul3A_76 = arith.constant 10 : i32
      %mul3A_77 = arith.muli %mul3A_76, %scan3A_25 : i32
      %add3A_78 = arith.constant 5 : i32
      %add3A_79 = arith.addi %mul3A_77, %add3A_78 : i32
      %dma_start3A_80 = arith.constant 0 : i32
      %dma_start3A_81 = tpu.memref_slice %arg8[%add3A_79, %dma_start3A_80] : memref<80x125xi32, #tpu.memory_space<vmem>> -> memref<1x125xi32, #tpu.memory_space<vmem>>
      %dma_start3A_82 = tpu.memref_squeeze %dma_start3A_81 : memref<1x125xi32, #tpu.memory_space<vmem>> -> memref<125xi32, #tpu.memory_space<vmem>>
      %dma_start3A_83 = arith.constant 0 : i32
      %dma_start3A_84 = arith.constant 0 : i32
      %dma_start3A_85 = tpu.memref_slice %arg6[%dma_start3A_83, %dma_start3A_84] : memref<10240x16xf32, #tpu.memory_space<vmem_shared>> -> memref<10240x16xf32, #tpu.memory_space<vmem_shared>>
      tpu.enqueue_indirect_dma source(%dma_start3A_85 : memref<10240x16xf32, #tpu.memory_space<vmem_shared>>) target(%arg15 : memref<125x16xf32, #tpu.memory_space<vmem>>) offsets(%dma_start3A_82 : memref<125xi32, #tpu.memory_space<vmem>>) semaphore(%arg21 : memref<!tpu.dma_semaphore, #tpu.memory_space<semaphore_mem>>)
      %mul3A_86 = arith.constant 10 : i32
      %mul3A_87 = arith.muli %mul3A_86, %scan3A_25 : i32
      %add3A_88 = arith.constant 6 : i32
      %add3A_89 = arith.addi %mul3A_87, %add3A_88 : i32
      %dma_start3A_90 = arith.constant 0 : i32
      %dma_start3A_91 = tpu.memref_slice %arg8[%add3A_89, %dma_start3A_90] : memref<80x125xi32, #tpu.memory_space<vmem>> -> memref<1x125xi32, #tpu.memory_space<vmem>>
      %dma_start3A_92 = tpu.memref_squeeze %dma_start3A_91 : memref<1x125xi32, #tpu.memory_space<vmem>> -> memref<125xi32, #tpu.memory_space<vmem>>
      %dma_start3A_93 = arith.constant 0 : i32
      %dma_start3A_94 = arith.constant 0 : i32
      %dma_start3A_95 = tpu.memref_slice %arg6[%dma_start3A_93, %dma_start3A_94] : memref<10240x16xf32, #tpu.memory_space<vmem_shared>> -> memref<10240x16xf32, #tpu.memory_space<vmem_shared>>
      tpu.enqueue_indirect_dma source(%dma_start3A_95 : memref<10240x16xf32, #tpu.memory_space<vmem_shared>>) target(%arg16 : memref<125x16xf32, #tpu.memory_space<vmem>>) offsets(%dma_start3A_92 : memref<125xi32, #tpu.memory_space<vmem>>) semaphore(%arg21 : memref<!tpu.dma_semaphore, #tpu.memory_space<semaphore_mem>>)
      %mul3A_96 = arith.constant 10 : i32
      %mul3A_97 = arith.muli %mul3A_96, %scan3A_25 : i32
      %add3A_98 = arith.constant 7 : i32
      %add3A_99 = arith.addi %mul3A_97, %add3A_98 : i32
      %dma_start3A_100 = arith.constant 0 : i32
      %dma_start3A_101 = tpu.memref_slice %arg8[%add3A_99, %dma_start3A_100] : memref<80x125xi32, #tpu.memory_space<vmem>> -> memref<1x125xi32, #tpu.memory_space<vmem>>
      %dma_start3A_102 = tpu.memref_squeeze %dma_start3A_101 : memref<1x125xi32, #tpu.memory_space<vmem>> -> memref<125xi32, #tpu.memory_space<vmem>>
      %dma_start3A_103 = arith.constant 0 : i32
      %dma_start3A_104 = arith.constant 0 : i32
      %dma_start3A_105 = tpu.memref_slice %arg6[%dma_start3A_103, %dma_start3A_104] : memref<10240x16xf32, #tpu.memory_space<vmem_shared>> -> memref<10240x16xf32, #tpu.memory_space<vmem_shared>>
      tpu.enqueue_indirect_dma source(%dma_start3A_105 : memref<10240x16xf32, #tpu.memory_space<vmem_shared>>) target(%arg17 : memref<125x16xf32, #tpu.memory_space<vmem>>) offsets(%dma_start3A_102 : memref<125xi32, #tpu.memory_space<vmem>>) semaphore(%arg21 : memref<!tpu.dma_semaphore, #tpu.memory_space<semaphore_mem>>)
      %mul3A_106 = arith.constant 10 : i32
      %mul3A_107 = arith.muli %mul3A_106, %scan3A_25 : i32
      %add3A_108 = arith.constant 8 : i32
      %add3A_109 = arith.addi %mul3A_107, %add3A_108 : i32
      %dma_start3A_110 = arith.constant 0 : i32
      %dma_start3A_111 = tpu.memref_slice %arg8[%add3A_109, %dma_start3A_110] : memref<80x125xi32, #tpu.memory_space<vmem>> -> memref<1x125xi32, #tpu.memory_space<vmem>>
      %dma_start3A_112 = tpu.memref_squeeze %dma_start3A_111 : memref<1x125xi32, #tpu.memory_space<vmem>> -> memref<125xi32, #tpu.memory_space<vmem>>
      %dma_start3A_113 = arith.constant 0 : i32
      %dma_start3A_114 = arith.constant 0 : i32
      %dma_start3A_115 = tpu.memref_slice %arg6[%dma_start3A_113, %dma_start3A_114] : memref<10240x16xf32, #tpu.memory_space<vmem_shared>> -> memref<10240x16xf32, #tpu.memory_space<vmem_shared>>
      tpu.enqueue_indirect_dma source(%dma_start3A_115 : memref<10240x16xf32, #tpu.memory_space<vmem_shared>>) target(%arg18 : memref<125x16xf32, #tpu.memory_space<vmem>>) offsets(%dma_start3A_112 : memref<125xi32, #tpu.memory_space<vmem>>) semaphore(%arg21 : memref<!tpu.dma_semaphore, #tpu.memory_space<semaphore_mem>>)
      %mul3A_116 = arith.constant 10 : i32
      %mul3A_117 = arith.muli %mul3A_116, %scan3A_25 : i32
      %add3A_118 = arith.constant 9 : i32
      %add3A_119 = arith.addi %mul3A_117, %add3A_118 : i32
      %dma_start3A_120 = arith.constant 0 : i32
      %dma_start3A_121 = tpu.memref_slice %arg8[%add3A_119, %dma_start3A_120] : memref<80x125xi32, #tpu.memory_space<vmem>> -> memref<1x125xi32, #tpu.memory_space<vmem>>
      %dma_start3A_122 = tpu.memref_squeeze %dma_start3A_121 : memref<1x125xi32, #tpu.memory_space<vmem>> -> memref<125xi32, #tpu.memory_space<vmem>>
      %dma_start3A_123 = arith.constant 0 : i32
      %dma_start3A_124 = arith.constant 0 : i32
      %dma_start3A_125 = tpu.memref_slice %arg6[%dma_start3A_123, %dma_start3A_124] : memref<10240x16xf32, #tpu.memory_space<vmem_shared>> -> memref<10240x16xf32, #tpu.memory_space<vmem_shared>>
      tpu.enqueue_indirect_dma source(%dma_start3A_125 : memref<10240x16xf32, #tpu.memory_space<vmem_shared>>) target(%arg19 : memref<125x16xf32, #tpu.memory_space<vmem>>) offsets(%dma_start3A_122 : memref<125xi32, #tpu.memory_space<vmem>>) semaphore(%arg21 : memref<!tpu.dma_semaphore, #tpu.memory_space<semaphore_mem>>)
      %dma_wait3A = arith.constant 0 : i32
      %dma_wait3A_126 = tpu.memref_slice %arg8[%add3A_30, %dma_wait3A] : memref<80x125xi32, #tpu.memory_space<vmem>> -> memref<1x125xi32, #tpu.memory_space<vmem>>
      %dma_wait3A_127 = tpu.memref_squeeze %dma_wait3A_126 : memref<1x125xi32, #tpu.memory_space<vmem>> -> memref<125xi32, #tpu.memory_space<vmem>>
      %dma_wait3A_128 = arith.constant 0 : i32
      %dma_wait3A_129 = arith.constant 0 : i32
      %dma_wait3A_130 = tpu.memref_slice %arg6[%dma_wait3A_128, %dma_wait3A_129] : memref<10240x16xf32, #tpu.memory_space<vmem_shared>> -> memref<10240x16xf32, #tpu.memory_space<vmem_shared>>
      tpu.wait_indirect_dma semaphore(%arg21 : memref<!tpu.dma_semaphore, #tpu.memory_space<semaphore_mem>>) src(%dma_wait3A_130 : memref<10240x16xf32, #tpu.memory_space<vmem_shared>>) dst(%arg10 : memref<125x16xf32, #tpu.memory_space<vmem>>)
      %mul3A_131 = arith.constant 10 : i32
      %mul3A_132 = arith.muli %mul3A_131, %scan3A_25 : i32
      %add3A_133 = arith.constant 0 : i32
      %add3A_134 = arith.addi %mul3A_132, %add3A_133 : i32
      %dma_start3A_135 = arith.constant 0 : i32
      %dma_start3A_136 = tpu.memref_slice %arg9[%add3A_134, %dma_start3A_135] : memref<80x125xi32, #tpu.memory_space<vmem>> -> memref<1x125xi32, #tpu.memory_space<vmem>>
      %dma_start3A_137 = tpu.memref_squeeze %dma_start3A_136 : memref<1x125xi32, #tpu.memory_space<vmem>> -> memref<125xi32, #tpu.memory_space<vmem>>
      %dma_start3A_138 = arith.constant 0 : i32
      %dma_start3A_139 = arith.constant 0 : i32
      %dma_start3A_140 = tpu.memref_slice %arg7[%dma_start3A_138, %dma_start3A_139] : memref<10240x16xf32, #tpu.memory_space<vmem_shared>> -> memref<10240x16xf32, #tpu.memory_space<vmem_shared>>
      tpu.enqueue_indirect_dma source(%arg10 : memref<125x16xf32, #tpu.memory_space<vmem>>) target(%dma_start3A_140 : memref<10240x16xf32, #tpu.memory_space<vmem_shared>>) offsets(%dma_start3A_137 : memref<125xi32, #tpu.memory_space<vmem>>) semaphore(%arg22 : memref<!tpu.dma_semaphore, #tpu.memory_space<semaphore_mem>>) {add = true}
      %dma_wait3A_141 = arith.constant 0 : i32
      %dma_wait3A_142 = tpu.memref_slice %arg8[%add3A_39, %dma_wait3A_141] : memref<80x125xi32, #tpu.memory_space<vmem>> -> memref<1x125xi32, #tpu.memory_space<vmem>>
      %dma_wait3A_143 = tpu.memref_squeeze %dma_wait3A_142 : memref<1x125xi32, #tpu.memory_space<vmem>> -> memref<125xi32, #tpu.memory_space<vmem>>
      %dma_wait3A_144 = arith.constant 0 : i32
      %dma_wait3A_145 = arith.constant 0 : i32
      %dma_wait3A_146 = tpu.memref_slice %arg6[%dma_wait3A_144, %dma_wait3A_145] : memref<10240x16xf32, #tpu.memory_space<vmem_shared>> -> memref<10240x16xf32, #tpu.memory_space<vmem_shared>>
      tpu.wait_indirect_dma semaphore(%arg21 : memref<!tpu.dma_semaphore, #tpu.memory_space<semaphore_mem>>) src(%dma_wait3A_146 : memref<10240x16xf32, #tpu.memory_space<vmem_shared>>) dst(%arg11 : memref<125x16xf32, #tpu.memory_space<vmem>>)
      %mul3A_147 = arith.constant 10 : i32
      %mul3A_148 = arith.muli %mul3A_147, %scan3A_25 : i32
      %add3A_149 = arith.constant 1 : i32
      %add3A_150 = arith.addi %mul3A_148, %add3A_149 : i32
      %dma_start3A_151 = arith.constant 0 : i32
      %dma_start3A_152 = tpu.memref_slice %arg9[%add3A_150, %dma_start3A_151] : memref<80x125xi32, #tpu.memory_space<vmem>> -> memref<1x125xi32, #tpu.memory_space<vmem>>
      %dma_start3A_153 = tpu.memref_squeeze %dma_start3A_152 : memref<1x125xi32, #tpu.memory_space<vmem>> -> memref<125xi32, #tpu.memory_space<vmem>>
      %dma_start3A_154 = arith.constant 0 : i32
      %dma_start3A_155 = arith.constant 0 : i32
      %dma_start3A_156 = tpu.memref_slice %arg7[%dma_start3A_154, %dma_start3A_155] : memref<10240x16xf32, #tpu.memory_space<vmem_shared>> -> memref<10240x16xf32, #tpu.memory_space<vmem_shared>>
      tpu.enqueue_indirect_dma source(%arg11 : memref<125x16xf32, #tpu.memory_space<vmem>>) target(%dma_start3A_156 : memref<10240x16xf32, #tpu.memory_space<vmem_shared>>) offsets(%dma_start3A_153 : memref<125xi32, #tpu.memory_space<vmem>>) semaphore(%arg22 : memref<!tpu.dma_semaphore, #tpu.memory_space<semaphore_mem>>) {add = true}
      %dma_wait3A_157 = arith.constant 0 : i32
      %dma_wait3A_158 = tpu.memref_slice %arg8[%add3A_49, %dma_wait3A_157] : memref<80x125xi32, #tpu.memory_space<vmem>> -> memref<1x125xi32, #tpu.memory_space<vmem>>
      %dma_wait3A_159 = tpu.memref_squeeze %dma_wait3A_158 : memref<1x125xi32, #tpu.memory_space<vmem>> -> memref<125xi32, #tpu.memory_space<vmem>>
      %dma_wait3A_160 = arith.constant 0 : i32
      %dma_wait3A_161 = arith.constant 0 : i32
      %dma_wait3A_162 = tpu.memref_slice %arg6[%dma_wait3A_160, %dma_wait3A_161] : memref<10240x16xf32, #tpu.memory_space<vmem_shared>> -> memref<10240x16xf32, #tpu.memory_space<vmem_shared>>
      tpu.wait_indirect_dma semaphore(%arg21 : memref<!tpu.dma_semaphore, #tpu.memory_space<semaphore_mem>>) src(%dma_wait3A_162 : memref<10240x16xf32, #tpu.memory_space<vmem_shared>>) dst(%arg12 : memref<125x16xf32, #tpu.memory_space<vmem>>)
      %mul3A_163 = arith.constant 10 : i32
      %mul3A_164 = arith.muli %mul3A_163, %scan3A_25 : i32
      %add3A_165 = arith.constant 2 : i32
      %add3A_166 = arith.addi %mul3A_164, %add3A_165 : i32
      %dma_start3A_167 = arith.constant 0 : i32
      %dma_start3A_168 = tpu.memref_slice %arg9[%add3A_166, %dma_start3A_167] : memref<80x125xi32, #tpu.memory_space<vmem>> -> memref<1x125xi32, #tpu.memory_space<vmem>>
      %dma_start3A_169 = tpu.memref_squeeze %dma_start3A_168 : memref<1x125xi32, #tpu.memory_space<vmem>> -> memref<125xi32, #tpu.memory_space<vmem>>
      %dma_start3A_170 = arith.constant 0 : i32
      %dma_start3A_171 = arith.constant 0 : i32
      %dma_start3A_172 = tpu.memref_slice %arg7[%dma_start3A_170, %dma_start3A_171] : memref<10240x16xf32, #tpu.memory_space<vmem_shared>> -> memref<10240x16xf32, #tpu.memory_space<vmem_shared>>
      tpu.enqueue_indirect_dma source(%arg12 : memref<125x16xf32, #tpu.memory_space<vmem>>) target(%dma_start3A_172 : memref<10240x16xf32, #tpu.memory_space<vmem_shared>>) offsets(%dma_start3A_169 : memref<125xi32, #tpu.memory_space<vmem>>) semaphore(%arg22 : memref<!tpu.dma_semaphore, #tpu.memory_space<semaphore_mem>>) {add = true}
      %dma_wait3A_173 = arith.constant 0 : i32
      %dma_wait3A_174 = tpu.memref_slice %arg8[%add3A_59, %dma_wait3A_173] : memref<80x125xi32, #tpu.memory_space<vmem>> -> memref<1x125xi32, #tpu.memory_space<vmem>>
      %dma_wait3A_175 = tpu.memref_squeeze %dma_wait3A_174 : memref<1x125xi32, #tpu.memory_space<vmem>> -> memref<125xi32, #tpu.memory_space<vmem>>
      %dma_wait3A_176 = arith.constant 0 : i32
      %dma_wait3A_177 = arith.constant 0 : i32
      %dma_wait3A_178 = tpu.memref_slice %arg6[%dma_wait3A_176, %dma_wait3A_177] : memref<10240x16xf32, #tpu.memory_space<vmem_shared>> -> memref<10240x16xf32, #tpu.memory_space<vmem_shared>>
      tpu.wait_indirect_dma semaphore(%arg21 : memref<!tpu.dma_semaphore, #tpu.memory_space<semaphore_mem>>) src(%dma_wait3A_178 : memref<10240x16xf32, #tpu.memory_space<vmem_shared>>) dst(%arg13 : memref<125x16xf32, #tpu.memory_space<vmem>>)
      %mul3A_179 = arith.constant 10 : i32
      %mul3A_180 = arith.muli %mul3A_179, %scan3A_25 : i32
      %add3A_181 = arith.constant 3 : i32
      %add3A_182 = arith.addi %mul3A_180, %add3A_181 : i32
      %dma_start3A_183 = arith.constant 0 : i32
      %dma_start3A_184 = tpu.memref_slice %arg9[%add3A_182, %dma_start3A_183] : memref<80x125xi32, #tpu.memory_space<vmem>> -> memref<1x125xi32, #tpu.memory_space<vmem>>
      %dma_start3A_185 = tpu.memref_squeeze %dma_start3A_184 : memref<1x125xi32, #tpu.memory_space<vmem>> -> memref<125xi32, #tpu.memory_space<vmem>>
      %dma_start3A_186 = arith.constant 0 : i32
      %dma_start3A_187 = arith.constant 0 : i32
      %dma_start3A_188 = tpu.memref_slice %arg7[%dma_start3A_186, %dma_start3A_187] : memref<10240x16xf32, #tpu.memory_space<vmem_shared>> -> memref<10240x16xf32, #tpu.memory_space<vmem_shared>>
      tpu.enqueue_indirect_dma source(%arg13 : memref<125x16xf32, #tpu.memory_space<vmem>>) target(%dma_start3A_188 : memref<10240x16xf32, #tpu.memory_space<vmem_shared>>) offsets(%dma_start3A_185 : memref<125xi32, #tpu.memory_space<vmem>>) semaphore(%arg22 : memref<!tpu.dma_semaphore, #tpu.memory_space<semaphore_mem>>) {add = true}
      %dma_wait3A_189 = arith.constant 0 : i32
      %dma_wait3A_190 = tpu.memref_slice %arg8[%add3A_69, %dma_wait3A_189] : memref<80x125xi32, #tpu.memory_space<vmem>> -> memref<1x125xi32, #tpu.memory_space<vmem>>
      %dma_wait3A_191 = tpu.memref_squeeze %dma_wait3A_190 : memref<1x125xi32, #tpu.memory_space<vmem>> -> memref<125xi32, #tpu.memory_space<vmem>>
      %dma_wait3A_192 = arith.constant 0 : i32
      %dma_wait3A_193 = arith.constant 0 : i32
      %dma_wait3A_194 = tpu.memref_slice %arg6[%dma_wait3A_192, %dma_wait3A_193] : memref<10240x16xf32, #tpu.memory_space<vmem_shared>> -> memref<10240x16xf32, #tpu.memory_space<vmem_shared>>
      tpu.wait_indirect_dma semaphore(%arg21 : memref<!tpu.dma_semaphore, #tpu.memory_space<semaphore_mem>>) src(%dma_wait3A_194 : memref<10240x16xf32, #tpu.memory_space<vmem_shared>>) dst(%arg14 : memref<125x16xf32, #tpu.memory_space<vmem>>)
      %mul3A_195 = arith.constant 10 : i32
      %mul3A_196 = arith.muli %mul3A_195, %scan3A_25 : i32
      %add3A_197 = arith.constant 4 : i32
      %add3A_198 = arith.addi %mul3A_196, %add3A_197 : i32
      %dma_start3A_199 = arith.constant 0 : i32
      %dma_start3A_200 = tpu.memref_slice %arg9[%add3A_198, %dma_start3A_199] : memref<80x125xi32, #tpu.memory_space<vmem>> -> memref<1x125xi32, #tpu.memory_space<vmem>>
      %dma_start3A_201 = tpu.memref_squeeze %dma_start3A_200 : memref<1x125xi32, #tpu.memory_space<vmem>> -> memref<125xi32, #tpu.memory_space<vmem>>
      %dma_start3A_202 = arith.constant 0 : i32
      %dma_start3A_203 = arith.constant 0 : i32
      %dma_start3A_204 = tpu.memref_slice %arg7[%dma_start3A_202, %dma_start3A_203] : memref<10240x16xf32, #tpu.memory_space<vmem_shared>> -> memref<10240x16xf32, #tpu.memory_space<vmem_shared>>
      tpu.enqueue_indirect_dma source(%arg14 : memref<125x16xf32, #tpu.memory_space<vmem>>) target(%dma_start3A_204 : memref<10240x16xf32, #tpu.memory_space<vmem_shared>>) offsets(%dma_start3A_201 : memref<125xi32, #tpu.memory_space<vmem>>) semaphore(%arg22 : memref<!tpu.dma_semaphore, #tpu.memory_space<semaphore_mem>>) {add = true}
      %dma_wait3A_205 = arith.constant 0 : i32
      %dma_wait3A_206 = tpu.memref_slice %arg8[%add3A_79, %dma_wait3A_205] : memref<80x125xi32, #tpu.memory_space<vmem>> -> memref<1x125xi32, #tpu.memory_space<vmem>>
      %dma_wait3A_207 = tpu.memref_squeeze %dma_wait3A_206 : memref<1x125xi32, #tpu.memory_space<vmem>> -> memref<125xi32, #tpu.memory_space<vmem>>
      %dma_wait3A_208 = arith.constant 0 : i32
      %dma_wait3A_209 = arith.constant 0 : i32
      %dma_wait3A_210 = tpu.memref_slice %arg6[%dma_wait3A_208, %dma_wait3A_209] : memref<10240x16xf32, #tpu.memory_space<vmem_shared>> -> memref<10240x16xf32, #tpu.memory_space<vmem_shared>>
      tpu.wait_indirect_dma semaphore(%arg21 : memref<!tpu.dma_semaphore, #tpu.memory_space<semaphore_mem>>) src(%dma_wait3A_210 : memref<10240x16xf32, #tpu.memory_space<vmem_shared>>) dst(%arg15 : memref<125x16xf32, #tpu.memory_space<vmem>>)
      %mul3A_211 = arith.constant 10 : i32
      %mul3A_212 = arith.muli %mul3A_211, %scan3A_25 : i32
      %add3A_213 = arith.constant 5 : i32
      %add3A_214 = arith.addi %mul3A_212, %add3A_213 : i32
      %dma_start3A_215 = arith.constant 0 : i32
      %dma_start3A_216 = tpu.memref_slice %arg9[%add3A_214, %dma_start3A_215] : memref<80x125xi32, #tpu.memory_space<vmem>> -> memref<1x125xi32, #tpu.memory_space<vmem>>
      %dma_start3A_217 = tpu.memref_squeeze %dma_start3A_216 : memref<1x125xi32, #tpu.memory_space<vmem>> -> memref<125xi32, #tpu.memory_space<vmem>>
      %dma_start3A_218 = arith.constant 0 : i32
      %dma_start3A_219 = arith.constant 0 : i32
      %dma_start3A_220 = tpu.memref_slice %arg7[%dma_start3A_218, %dma_start3A_219] : memref<10240x16xf32, #tpu.memory_space<vmem_shared>> -> memref<10240x16xf32, #tpu.memory_space<vmem_shared>>
      tpu.enqueue_indirect_dma source(%arg15 : memref<125x16xf32, #tpu.memory_space<vmem>>) target(%dma_start3A_220 : memref<10240x16xf32, #tpu.memory_space<vmem_shared>>) offsets(%dma_start3A_217 : memref<125xi32, #tpu.memory_space<vmem>>) semaphore(%arg22 : memref<!tpu.dma_semaphore, #tpu.memory_space<semaphore_mem>>) {add = true}
      %dma_wait3A_221 = arith.constant 0 : i32
      %dma_wait3A_222 = tpu.memref_slice %arg8[%add3A_89, %dma_wait3A_221] : memref<80x125xi32, #tpu.memory_space<vmem>> -> memref<1x125xi32, #tpu.memory_space<vmem>>
      %dma_wait3A_223 = tpu.memref_squeeze %dma_wait3A_222 : memref<1x125xi32, #tpu.memory_space<vmem>> -> memref<125xi32, #tpu.memory_space<vmem>>
      %dma_wait3A_224 = arith.constant 0 : i32
      %dma_wait3A_225 = arith.constant 0 : i32
      %dma_wait3A_226 = tpu.memref_slice %arg6[%dma_wait3A_224, %dma_wait3A_225] : memref<10240x16xf32, #tpu.memory_space<vmem_shared>> -> memref<10240x16xf32, #tpu.memory_space<vmem_shared>>
      tpu.wait_indirect_dma semaphore(%arg21 : memref<!tpu.dma_semaphore, #tpu.memory_space<semaphore_mem>>) src(%dma_wait3A_226 : memref<10240x16xf32, #tpu.memory_space<vmem_shared>>) dst(%arg16 : memref<125x16xf32, #tpu.memory_space<vmem>>)
      %mul3A_227 = arith.constant 10 : i32
      %mul3A_228 = arith.muli %mul3A_227, %scan3A_25 : i32
      %add3A_229 = arith.constant 6 : i32
      %add3A_230 = arith.addi %mul3A_228, %add3A_229 : i32
      %dma_start3A_231 = arith.constant 0 : i32
      %dma_start3A_232 = tpu.memref_slice %arg9[%add3A_230, %dma_start3A_231] : memref<80x125xi32, #tpu.memory_space<vmem>> -> memref<1x125xi32, #tpu.memory_space<vmem>>
      %dma_start3A_233 = tpu.memref_squeeze %dma_start3A_232 : memref<1x125xi32, #tpu.memory_space<vmem>> -> memref<125xi32, #tpu.memory_space<vmem>>
      %dma_start3A_234 = arith.constant 0 : i32
      %dma_start3A_235 = arith.constant 0 : i32
      %dma_start3A_236 = tpu.memref_slice %arg7[%dma_start3A_234, %dma_start3A_235] : memref<10240x16xf32, #tpu.memory_space<vmem_shared>> -> memref<10240x16xf32, #tpu.memory_space<vmem_shared>>
      tpu.enqueue_indirect_dma source(%arg16 : memref<125x16xf32, #tpu.memory_space<vmem>>) target(%dma_start3A_236 : memref<10240x16xf32, #tpu.memory_space<vmem_shared>>) offsets(%dma_start3A_233 : memref<125xi32, #tpu.memory_space<vmem>>) semaphore(%arg22 : memref<!tpu.dma_semaphore, #tpu.memory_space<semaphore_mem>>) {add = true}
      %dma_wait3A_237 = arith.constant 0 : i32
      %dma_wait3A_238 = tpu.memref_slice %arg8[%add3A_99, %dma_wait3A_237] : memref<80x125xi32, #tpu.memory_space<vmem>> -> memref<1x125xi32, #tpu.memory_space<vmem>>
      %dma_wait3A_239 = tpu.memref_squeeze %dma_wait3A_238 : memref<1x125xi32, #tpu.memory_space<vmem>> -> memref<125xi32, #tpu.memory_space<vmem>>
      %dma_wait3A_240 = arith.constant 0 : i32
      %dma_wait3A_241 = arith.constant 0 : i32
      %dma_wait3A_242 = tpu.memref_slice %arg6[%dma_wait3A_240, %dma_wait3A_241] : memref<10240x16xf32, #tpu.memory_space<vmem_shared>> -> memref<10240x16xf32, #tpu.memory_space<vmem_shared>>
      tpu.wait_indirect_dma semaphore(%arg21 : memref<!tpu.dma_semaphore, #tpu.memory_space<semaphore_mem>>) src(%dma_wait3A_242 : memref<10240x16xf32, #tpu.memory_space<vmem_shared>>) dst(%arg17 : memref<125x16xf32, #tpu.memory_space<vmem>>)
      %mul3A_243 = arith.constant 10 : i32
      %mul3A_244 = arith.muli %mul3A_243, %scan3A_25 : i32
      %add3A_245 = arith.constant 7 : i32
      %add3A_246 = arith.addi %mul3A_244, %add3A_245 : i32
      %dma_start3A_247 = arith.constant 0 : i32
      %dma_start3A_248 = tpu.memref_slice %arg9[%add3A_246, %dma_start3A_247] : memref<80x125xi32, #tpu.memory_space<vmem>> -> memref<1x125xi32, #tpu.memory_space<vmem>>
      %dma_start3A_249 = tpu.memref_squeeze %dma_start3A_248 : memref<1x125xi32, #tpu.memory_space<vmem>> -> memref<125xi32, #tpu.memory_space<vmem>>
      %dma_start3A_250 = arith.constant 0 : i32
      %dma_start3A_251 = arith.constant 0 : i32
      %dma_start3A_252 = tpu.memref_slice %arg7[%dma_start3A_250, %dma_start3A_251] : memref<10240x16xf32, #tpu.memory_space<vmem_shared>> -> memref<10240x16xf32, #tpu.memory_space<vmem_shared>>
      tpu.enqueue_indirect_dma source(%arg17 : memref<125x16xf32, #tpu.memory_space<vmem>>) target(%dma_start3A_252 : memref<10240x16xf32, #tpu.memory_space<vmem_shared>>) offsets(%dma_start3A_249 : memref<125xi32, #tpu.memory_space<vmem>>) semaphore(%arg22 : memref<!tpu.dma_semaphore, #tpu.memory_space<semaphore_mem>>) {add = true}
      %dma_wait3A_253 = arith.constant 0 : i32
      %dma_wait3A_254 = tpu.memref_slice %arg8[%add3A_109, %dma_wait3A_253] : memref<80x125xi32, #tpu.memory_space<vmem>> -> memref<1x125xi32, #tpu.memory_space<vmem>>
      %dma_wait3A_255 = tpu.memref_squeeze %dma_wait3A_254 : memref<1x125xi32, #tpu.memory_space<vmem>> -> memref<125xi32, #tpu.memory_space<vmem>>
      %dma_wait3A_256 = arith.constant 0 : i32
      %dma_wait3A_257 = arith.constant 0 : i32
      %dma_wait3A_258 = tpu.memref_slice %arg6[%dma_wait3A_256, %dma_wait3A_257] : memref<10240x16xf32, #tpu.memory_space<vmem_shared>> -> memref<10240x16xf32, #tpu.memory_space<vmem_shared>>
      tpu.wait_indirect_dma semaphore(%arg21 : memref<!tpu.dma_semaphore, #tpu.memory_space<semaphore_mem>>) src(%dma_wait3A_258 : memref<10240x16xf32, #tpu.memory_space<vmem_shared>>) dst(%arg18 : memref<125x16xf32, #tpu.memory_space<vmem>>)
      %mul3A_259 = arith.constant 10 : i32
      %mul3A_260 = arith.muli %mul3A_259, %scan3A_25 : i32
      %add3A_261 = arith.constant 8 : i32
      %add3A_262 = arith.addi %mul3A_260, %add3A_261 : i32
      %dma_start3A_263 = arith.constant 0 : i32
      %dma_start3A_264 = tpu.memref_slice %arg9[%add3A_262, %dma_start3A_263] : memref<80x125xi32, #tpu.memory_space<vmem>> -> memref<1x125xi32, #tpu.memory_space<vmem>>
      %dma_start3A_265 = tpu.memref_squeeze %dma_start3A_264 : memref<1x125xi32, #tpu.memory_space<vmem>> -> memref<125xi32, #tpu.memory_space<vmem>>
      %dma_start3A_266 = arith.constant 0 : i32
      %dma_start3A_267 = arith.constant 0 : i32
      %dma_start3A_268 = tpu.memref_slice %arg7[%dma_start3A_266, %dma_start3A_267] : memref<10240x16xf32, #tpu.memory_space<vmem_shared>> -> memref<10240x16xf32, #tpu.memory_space<vmem_shared>>
      tpu.enqueue_indirect_dma source(%arg18 : memref<125x16xf32, #tpu.memory_space<vmem>>) target(%dma_start3A_268 : memref<10240x16xf32, #tpu.memory_space<vmem_shared>>) offsets(%dma_start3A_265 : memref<125xi32, #tpu.memory_space<vmem>>) semaphore(%arg22 : memref<!tpu.dma_semaphore, #tpu.memory_space<semaphore_mem>>) {add = true}
      %dma_wait3A_269 = arith.constant 0 : i32
      %dma_wait3A_270 = tpu.memref_slice %arg8[%add3A_119, %dma_wait3A_269] : memref<80x125xi32, #tpu.memory_space<vmem>> -> memref<1x125xi32, #tpu.memory_space<vmem>>
      %dma_wait3A_271 = tpu.memref_squeeze %dma_wait3A_270 : memref<1x125xi32, #tpu.memory_space<vmem>> -> memref<125xi32, #tpu.memory_space<vmem>>
      %dma_wait3A_272 = arith.constant 0 : i32
      %dma_wait3A_273 = arith.constant 0 : i32
      %dma_wait3A_274 = tpu.memref_slice %arg6[%dma_wait3A_272, %dma_wait3A_273] : memref<10240x16xf32, #tpu.memory_space<vmem_shared>> -> memref<10240x16xf32, #tpu.memory_space<vmem_shared>>
      tpu.wait_indirect_dma semaphore(%arg21 : memref<!tpu.dma_semaphore, #tpu.memory_space<semaphore_mem>>) src(%dma_wait3A_274 : memref<10240x16xf32, #tpu.memory_space<vmem_shared>>) dst(%arg19 : memref<125x16xf32, #tpu.memory_space<vmem>>)
      %mul3A_275 = arith.constant 10 : i32
      %mul3A_276 = arith.muli %mul3A_275, %scan3A_25 : i32
      %add3A_277 = arith.constant 9 : i32
      %add3A_278 = arith.addi %mul3A_276, %add3A_277 : i32
      %dma_start3A_279 = arith.constant 0 : i32
      %dma_start3A_280 = tpu.memref_slice %arg9[%add3A_278, %dma_start3A_279] : memref<80x125xi32, #tpu.memory_space<vmem>> -> memref<1x125xi32, #tpu.memory_space<vmem>>
      %dma_start3A_281 = tpu.memref_squeeze %dma_start3A_280 : memref<1x125xi32, #tpu.memory_space<vmem>> -> memref<125xi32, #tpu.memory_space<vmem>>
      %dma_start3A_282 = arith.constant 0 : i32
      %dma_start3A_283 = arith.constant 0 : i32
      %dma_start3A_284 = tpu.memref_slice %arg7[%dma_start3A_282, %dma_start3A_283] : memref<10240x16xf32, #tpu.memory_space<vmem_shared>> -> memref<10240x16xf32, #tpu.memory_space<vmem_shared>>
      tpu.enqueue_indirect_dma source(%arg19 : memref<125x16xf32, #tpu.memory_space<vmem>>) target(%dma_start3A_284 : memref<10240x16xf32, #tpu.memory_space<vmem_shared>>) offsets(%dma_start3A_281 : memref<125xi32, #tpu.memory_space<vmem>>) semaphore(%arg22 : memref<!tpu.dma_semaphore, #tpu.memory_space<semaphore_mem>>) {add = true}
      %dma_wait3A_285 = arith.constant 0 : i32
      %dma_wait3A_286 = tpu.memref_slice %arg9[%add3A_134, %dma_wait3A_285] : memref<80x125xi32, #tpu.memory_space<vmem>> -> memref<1x125xi32, #tpu.memory_space<vmem>>
      %dma_wait3A_287 = tpu.memref_squeeze %dma_wait3A_286 : memref<1x125xi32, #tpu.memory_space<vmem>> -> memref<125xi32, #tpu.memory_space<vmem>>
      %dma_wait3A_288 = arith.constant 0 : i32
      %dma_wait3A_289 = arith.constant 0 : i32
      %dma_wait3A_290 = tpu.memref_slice %arg7[%dma_wait3A_288, %dma_wait3A_289] : memref<10240x16xf32, #tpu.memory_space<vmem_shared>> -> memref<10240x16xf32, #tpu.memory_space<vmem_shared>>
      tpu.wait_indirect_dma semaphore(%arg22 : memref<!tpu.dma_semaphore, #tpu.memory_space<semaphore_mem>>) src(%arg10 : memref<125x16xf32, #tpu.memory_space<vmem>>) dst(%dma_wait3A_290 : memref<10240x16xf32, #tpu.memory_space<vmem_shared>>)
      %dma_wait3A_291 = arith.constant 0 : i32
      %dma_wait3A_292 = tpu.memref_slice %arg9[%add3A_150, %dma_wait3A_291] : memref<80x125xi32, #tpu.memory_space<vmem>> -> memref<1x125xi32, #tpu.memory_space<vmem>>
      %dma_wait3A_293 = tpu.memref_squeeze %dma_wait3A_292 : memref<1x125xi32, #tpu.memory_space<vmem>> -> memref<125xi32, #tpu.memory_space<vmem>>
      %dma_wait3A_294 = arith.constant 0 : i32
      %dma_wait3A_295 = arith.constant 0 : i32
      %dma_wait3A_296 = tpu.memref_slice %arg7[%dma_wait3A_294, %dma_wait3A_295] : memref<10240x16xf32, #tpu.memory_space<vmem_shared>> -> memref<10240x16xf32, #tpu.memory_space<vmem_shared>>
      tpu.wait_indirect_dma semaphore(%arg22 : memref<!tpu.dma_semaphore, #tpu.memory_space<semaphore_mem>>) src(%arg11 : memref<125x16xf32, #tpu.memory_space<vmem>>) dst(%dma_wait3A_296 : memref<10240x16xf32, #tpu.memory_space<vmem_shared>>)
      %dma_wait3A_297 = arith.constant 0 : i32
      %dma_wait3A_298 = tpu.memref_slice %arg9[%add3A_166, %dma_wait3A_297] : memref<80x125xi32, #tpu.memory_space<vmem>> -> memref<1x125xi32, #tpu.memory_space<vmem>>
      %dma_wait3A_299 = tpu.memref_squeeze %dma_wait3A_298 : memref<1x125xi32, #tpu.memory_space<vmem>> -> memref<125xi32, #tpu.memory_space<vmem>>
      %dma_wait3A_300 = arith.constant 0 : i32
      %dma_wait3A_301 = arith.constant 0 : i32
      %dma_wait3A_302 = tpu.memref_slice %arg7[%dma_wait3A_300, %dma_wait3A_301] : memref<10240x16xf32, #tpu.memory_space<vmem_shared>> -> memref<10240x16xf32, #tpu.memory_space<vmem_shared>>
      tpu.wait_indirect_dma semaphore(%arg22 : memref<!tpu.dma_semaphore, #tpu.memory_space<semaphore_mem>>) src(%arg12 : memref<125x16xf32, #tpu.memory_space<vmem>>) dst(%dma_wait3A_302 : memref<10240x16xf32, #tpu.memory_space<vmem_shared>>)
      %dma_wait3A_303 = arith.constant 0 : i32
      %dma_wait3A_304 = tpu.memref_slice %arg9[%add3A_182, %dma_wait3A_303] : memref<80x125xi32, #tpu.memory_space<vmem>> -> memref<1x125xi32, #tpu.memory_space<vmem>>
      %dma_wait3A_305 = tpu.memref_squeeze %dma_wait3A_304 : memref<1x125xi32, #tpu.memory_space<vmem>> -> memref<125xi32, #tpu.memory_space<vmem>>
      %dma_wait3A_306 = arith.constant 0 : i32
      %dma_wait3A_307 = arith.constant 0 : i32
      %dma_wait3A_308 = tpu.memref_slice %arg7[%dma_wait3A_306, %dma_wait3A_307] : memref<10240x16xf32, #tpu.memory_space<vmem_shared>> -> memref<10240x16xf32, #tpu.memory_space<vmem_shared>>
      tpu.wait_indirect_dma semaphore(%arg22 : memref<!tpu.dma_semaphore, #tpu.memory_space<semaphore_mem>>) src(%arg13 : memref<125x16xf32, #tpu.memory_space<vmem>>) dst(%dma_wait3A_308 : memref<10240x16xf32, #tpu.memory_space<vmem_shared>>)
      %dma_wait3A_309 = arith.constant 0 : i32
      %dma_wait3A_310 = tpu.memref_slice %arg9[%add3A_198, %dma_wait3A_309] : memref<80x125xi32, #tpu.memory_space<vmem>> -> memref<1x125xi32, #tpu.memory_space<vmem>>
      %dma_wait3A_311 = tpu.memref_squeeze %dma_wait3A_310 : memref<1x125xi32, #tpu.memory_space<vmem>> -> memref<125xi32, #tpu.memory_space<vmem>>
      %dma_wait3A_312 = arith.constant 0 : i32
      %dma_wait3A_313 = arith.constant 0 : i32
      %dma_wait3A_314 = tpu.memref_slice %arg7[%dma_wait3A_312, %dma_wait3A_313] : memref<10240x16xf32, #tpu.memory_space<vmem_shared>> -> memref<10240x16xf32, #tpu.memory_space<vmem_shared>>
      tpu.wait_indirect_dma semaphore(%arg22 : memref<!tpu.dma_semaphore, #tpu.memory_space<semaphore_mem>>) src(%arg14 : memref<125x16xf32, #tpu.memory_space<vmem>>) dst(%dma_wait3A_314 : memref<10240x16xf32, #tpu.memory_space<vmem_shared>>)
      %dma_wait3A_315 = arith.constant 0 : i32
      %dma_wait3A_316 = tpu.memref_slice %arg9[%add3A_214, %dma_wait3A_315] : memref<80x125xi32, #tpu.memory_space<vmem>> -> memref<1x125xi32, #tpu.memory_space<vmem>>
      %dma_wait3A_317 = tpu.memref_squeeze %dma_wait3A_316 : memref<1x125xi32, #tpu.memory_space<vmem>> -> memref<125xi32, #tpu.memory_space<vmem>>
      %dma_wait3A_318 = arith.constant 0 : i32
      %dma_wait3A_319 = arith.constant 0 : i32
      %dma_wait3A_320 = tpu.memref_slice %arg7[%dma_wait3A_318, %dma_wait3A_319] : memref<10240x16xf32, #tpu.memory_space<vmem_shared>> -> memref<10240x16xf32, #tpu.memory_space<vmem_shared>>
      tpu.wait_indirect_dma semaphore(%arg22 : memref<!tpu.dma_semaphore, #tpu.memory_space<semaphore_mem>>) src(%arg15 : memref<125x16xf32, #tpu.memory_space<vmem>>) dst(%dma_wait3A_320 : memref<10240x16xf32, #tpu.memory_space<vmem_shared>>)
      %dma_wait3A_321 = arith.constant 0 : i32
      %dma_wait3A_322 = tpu.memref_slice %arg9[%add3A_230, %dma_wait3A_321] : memref<80x125xi32, #tpu.memory_space<vmem>> -> memref<1x125xi32, #tpu.memory_space<vmem>>
      %dma_wait3A_323 = tpu.memref_squeeze %dma_wait3A_322 : memref<1x125xi32, #tpu.memory_space<vmem>> -> memref<125xi32, #tpu.memory_space<vmem>>
      %dma_wait3A_324 = arith.constant 0 : i32
      %dma_wait3A_325 = arith.constant 0 : i32
      %dma_wait3A_326 = tpu.memref_slice %arg7[%dma_wait3A_324, %dma_wait3A_325] : memref<10240x16xf32, #tpu.memory_space<vmem_shared>> -> memref<10240x16xf32, #tpu.memory_space<vmem_shared>>
      tpu.wait_indirect_dma semaphore(%arg22 : memref<!tpu.dma_semaphore, #tpu.memory_space<semaphore_mem>>) src(%arg16 : memref<125x16xf32, #tpu.memory_space<vmem>>) dst(%dma_wait3A_326 : memref<10240x16xf32, #tpu.memory_space<vmem_shared>>)
      %dma_wait3A_327 = arith.constant 0 : i32
      %dma_wait3A_328 = tpu.memref_slice %arg9[%add3A_246, %dma_wait3A_327] : memref<80x125xi32, #tpu.memory_space<vmem>> -> memref<1x125xi32, #tpu.memory_space<vmem>>
      %dma_wait3A_329 = tpu.memref_squeeze %dma_wait3A_328 : memref<1x125xi32, #tpu.memory_space<vmem>> -> memref<125xi32, #tpu.memory_space<vmem>>
      %dma_wait3A_330 = arith.constant 0 : i32
      %dma_wait3A_331 = arith.constant 0 : i32
      %dma_wait3A_332 = tpu.memref_slice %arg7[%dma_wait3A_330, %dma_wait3A_331] : memref<10240x16xf32, #tpu.memory_space<vmem_shared>> -> memref<10240x16xf32, #tpu.memory_space<vmem_shared>>
      tpu.wait_indirect_dma semaphore(%arg22 : memref<!tpu.dma_semaphore, #tpu.memory_space<semaphore_mem>>) src(%arg17 : memref<125x16xf32, #tpu.memory_space<vmem>>) dst(%dma_wait3A_332 : memref<10240x16xf32, #tpu.memory_space<vmem_shared>>)
      %dma_wait3A_333 = arith.constant 0 : i32
      %dma_wait3A_334 = tpu.memref_slice %arg9[%add3A_262, %dma_wait3A_333] : memref<80x125xi32, #tpu.memory_space<vmem>> -> memref<1x125xi32, #tpu.memory_space<vmem>>
      %dma_wait3A_335 = tpu.memref_squeeze %dma_wait3A_334 : memref<1x125xi32, #tpu.memory_space<vmem>> -> memref<125xi32, #tpu.memory_space<vmem>>
      %dma_wait3A_336 = arith.constant 0 : i32
      %dma_wait3A_337 = arith.constant 0 : i32
      %dma_wait3A_338 = tpu.memref_slice %arg7[%dma_wait3A_336, %dma_wait3A_337] : memref<10240x16xf32, #tpu.memory_space<vmem_shared>> -> memref<10240x16xf32, #tpu.memory_space<vmem_shared>>
      tpu.wait_indirect_dma semaphore(%arg22 : memref<!tpu.dma_semaphore, #tpu.memory_space<semaphore_mem>>) src(%arg18 : memref<125x16xf32, #tpu.memory_space<vmem>>) dst(%dma_wait3A_338 : memref<10240x16xf32, #tpu.memory_space<vmem_shared>>)
      %dma_wait3A_339 = arith.constant 0 : i32
      %dma_wait3A_340 = tpu.memref_slice %arg9[%add3A_278, %dma_wait3A_339] : memref<80x125xi32, #tpu.memory_space<vmem>> -> memref<1x125xi32, #tpu.memory_space<vmem>>
      %dma_wait3A_341 = tpu.memref_squeeze %dma_wait3A_340 : memref<1x125xi32, #tpu.memory_space<vmem>> -> memref<125xi32, #tpu.memory_space<vmem>>
      %dma_wait3A_342 = arith.constant 0 : i32
      %dma_wait3A_343 = arith.constant 0 : i32
      %dma_wait3A_344 = tpu.memref_slice %arg7[%dma_wait3A_342, %dma_wait3A_343] : memref<10240x16xf32, #tpu.memory_space<vmem_shared>> -> memref<10240x16xf32, #tpu.memory_space<vmem_shared>>
      tpu.wait_indirect_dma semaphore(%arg22 : memref<!tpu.dma_semaphore, #tpu.memory_space<semaphore_mem>>) src(%arg19 : memref<125x16xf32, #tpu.memory_space<vmem>>) dst(%dma_wait3A_344 : memref<10240x16xf32, #tpu.memory_space<vmem_shared>>)
      %scan3A_345 = arith.constant 0 : i32
      scf.yield %scan3A_345 : i32
    }
    %scan3A_23 = arith.constant 8 : i32
    %barrier3A_24 = arith.constant 0 : index
    tpu.barrier barrier_id(%barrier3A_24)
    "tpu.region"() ({
      %run_scoped3A = tpu.sem_alloc : memref<!tpu.dma_semaphore, #tpu.memory_space<semaphore_mem>>
      %dma_start3A = arith.constant 0 : i32
      %dma_start3A_25 = tpu.memref_slice %arg5[%arg0, %mul3A_2, %dma_start3A] : memref<2x10240x16xf32, #tpu.memory_space<hbm>> -> memref<1x640x16xf32, #tpu.memory_space<hbm>>
      %dma_start3A_26 = tpu.memref_squeeze %dma_start3A_25 : memref<1x640x16xf32, #tpu.memory_space<hbm>> -> memref<640x16xf32, #tpu.memory_space<hbm>>
      %dma_start3A_27 = arith.constant 0 : i32
      %dma_start3A_28 = tpu.memref_slice %arg7[%mul3A_2, %dma_start3A_27] : memref<10240x16xf32, #tpu.memory_space<vmem_shared>> -> memref<640x16xf32, #tpu.memory_space<vmem_shared>>
      tpu.enqueue_dma source(%dma_start3A_28 : memref<640x16xf32, #tpu.memory_space<vmem_shared>>) target(%dma_start3A_26 : memref<640x16xf32, #tpu.memory_space<hbm>>) target_semaphore(%run_scoped3A : memref<!tpu.dma_semaphore, #tpu.memory_space<semaphore_mem>>)
      %dma_wait3A = arith.constant 0 : i32
      %dma_wait3A_29 = tpu.memref_slice %arg5[%arg0, %mul3A_2, %dma_wait3A] : memref<2x10240x16xf32, #tpu.memory_space<hbm>> -> memref<1x640x16xf32, #tpu.memory_space<hbm>>
      %dma_wait3A_30 = tpu.memref_squeeze %dma_wait3A_29 : memref<1x640x16xf32, #tpu.memory_space<hbm>> -> memref<640x16xf32, #tpu.memory_space<hbm>>
      %dma_wait3A_31 = arith.constant 0 : i32
      %dma_wait3A_32 = tpu.memref_slice %arg7[%mul3A_2, %dma_wait3A_31] : memref<10240x16xf32, #tpu.memory_space<vmem_shared>> -> memref<640x16xf32, #tpu.memory_space<vmem_shared>>
      tpu.wait_dma2 semaphore(%run_scoped3A : memref<!tpu.dma_semaphore, #tpu.memory_space<semaphore_mem>>) src(%dma_wait3A_32 : memref<640x16xf32, #tpu.memory_space<vmem_shared>>) dst(%dma_wait3A_30 : memref<640x16xf32, #tpu.memory_space<hbm>>)
      tpu.yield
    }) : () -> ()
    return
  }
}

module attributes {stable_mosaic.version = 14 : i64} {
  func.func @body(%arg0: i32, %arg1: memref<10240x128xf32, #tpu.memory_space<vmem>>, %arg2: memref<10240x1xf32, #tpu.memory_space<vmem>>, %arg3: memref<10240x1xf32, #tpu.memory_space<vmem>>, %arg4: memref<128x16xf32, #tpu.memory_space<vmem>>, %arg5: memref<1x16xf32, #tpu.memory_space<vmem>>, %arg6: memref<10240x16xf32, #tpu.memory_space<vmem>>, %arg7: memref<10240x1xf32, #tpu.memory_space<vmem>>) attributes {dimension_semantics = [#tpu.dimension_semantics<arbitrary>], iteration_bounds = array<i64: 1>, scalar_prefetch = 0 : i64, scratch_operands = 0 : i64, tpu.core_type = #tpu.core_type<tc>, window_params = [{transform_indices = @transform_0, window_bounds = array<i64: 10240, 128>}, {pipeline_mode = #tpu.pipeline_mode<synchronous>, transform_indices = @transform_1, window_bounds = array<i64: 10240, 1>}, {pipeline_mode = #tpu.pipeline_mode<synchronous>, transform_indices = @transform_2, window_bounds = array<i64: 10240, 1>}, {pipeline_mode = #tpu.pipeline_mode<synchronous>, transform_indices = @transform_3, window_bounds = array<i64: 128, 16>}, {pipeline_mode = #tpu.pipeline_mode<synchronous>, transform_indices = @transform_4, window_bounds = array<i64: 1, 16>}, {pipeline_mode = #tpu.pipeline_mode<synchronous>, transform_indices = @transform_5, window_bounds = array<i64: 10240, 16>}, {pipeline_mode = #tpu.pipeline_mode<synchronous>, transform_indices = @transform_6, window_bounds = array<i64: 10240, 1>}]} {
    %get3A = arith.constant 0 : index
    %get3A_0 = arith.constant 0 : index
    %get3A_1 = vector.load %arg1[%get3A, %get3A_0] : memref<10240x128xf32, #tpu.memory_space<vmem>>, vector<10240x128xf32>
    %get3A_2 = arith.constant 0 : index
    %get3A_3 = arith.constant 0 : index
    %get3A_4 = vector.load %arg4[%get3A_2, %get3A_3] : memref<128x16xf32, #tpu.memory_space<vmem>>, vector<128x16xf32>
    %dot_general3A = arith.constant dense<0.000000e+00> : vector<10240x16xf32>
    %dot_general3A_5 = tpu.matmul %get3A_1, %get3A_4, %dot_general3A {dimension_numbers = #tpu.dot_dimension_numbers<[1], [0], [0], [1], [0, 0, 1, 1], [], []>, transpose_lhs_hint = false} : vector<10240x128xf32>, vector<128x16xf32>, vector<10240x16xf32> -> vector<10240x16xf32>
    %get3A_6 = arith.constant 0 : index
    %get3A_7 = arith.constant 0 : index
    %get3A_8 = vector.load %arg5[%get3A_6, %get3A_7] : memref<1x16xf32, #tpu.memory_space<vmem>>, vector<1x16xf32>
    %add3A = vector.broadcast %get3A_8 : vector<1x16xf32> to vector<10240x16xf32>
    %add3A_9 = arith.addf %dot_general3A_5, %add3A : vector<10240x16xf32>
    %iota3A = tpu.iota {dimensions = array<i32: 0>} : vector<10240x16xi32>
    %lt3A = arith.constant 10000 : i32
    %lt3A_10 = vector.broadcast %lt3A : i32 to vector<10240x16xi32>
    %lt3A_11 = arith.cmpi slt, %iota3A, %lt3A_10 : vector<10240x16xi32>
    %jit3A = arith.constant 0.000000e+00 : f32
    %broadcast_in_dim3A = vector.broadcast %jit3A : f32 to vector<10240x16xf32>
    %select_n3A = arith.select %lt3A_11, %add3A_9, %broadcast_in_dim3A : vector<10240x16xi1>, vector<10240x16xf32>
    %get3A_12 = arith.constant 0 : index
    %get3A_13 = arith.constant 0 : index
    %get3A_14 = vector.load %arg2[%get3A_12, %get3A_13] : memref<10240x1xf32, #tpu.memory_space<vmem>>, vector<10240x1xf32>
    %get3A_15 = arith.constant 0 : index
    %get3A_16 = arith.constant 0 : index
    %get3A_17 = vector.load %arg3[%get3A_15, %get3A_16] : memref<10240x1xf32, #tpu.memory_space<vmem>>, vector<10240x1xf32>
    %add3A_18 = arith.addf %get3A_14, %get3A_17 : vector<10240x1xf32>
    %add3A_19 = arith.constant 1.000000e+00 : f32
    %add3A_20 = vector.broadcast %add3A_19 : f32 to vector<10240x1xf32>
    %add3A_21 = arith.addf %add3A_18, %add3A_20 : vector<10240x1xf32>
    %rsqrt3A = math.rsqrt %add3A_21 : vector<10240x1xf32>
    %swap3A = arith.constant 0 : index
    %swap3A_22 = arith.constant 0 : index
    %swap3A_23 = vector.load %arg7[%swap3A, %swap3A_22] : memref<10240x1xf32, #tpu.memory_space<vmem>>, vector<10240x1xf32>
    tpu.vector_store %arg7[%swap3A, %swap3A_22], %rsqrt3A {strides = array<i32>} : memref<10240x1xf32, #tpu.memory_space<vmem>>, vector<10240x1xf32>,
    %mul3A = vector.broadcast %rsqrt3A : vector<10240x1xf32> to vector<10240x16xf32>
    %mul3A_24 = arith.mulf %mul3A, %select_n3A : vector<10240x16xf32>
    %swap3A_25 = arith.constant 0 : index
    %swap3A_26 = arith.constant 0 : index
    %swap3A_27 = vector.load %arg6[%swap3A_25, %swap3A_26] : memref<10240x16xf32, #tpu.memory_space<vmem>>, vector<10240x16xf32>
    tpu.vector_store %arg6[%swap3A_25, %swap3A_26], %mul3A_24 {strides = array<i32>} : memref<10240x16xf32, #tpu.memory_space<vmem>>, vector<10240x16xf32>,
    return
  }
  func.func @transform_0(%arg0: i32) -> (i32, i32) {
    %c0_i32 = arith.constant 0 : i32
    %c0_i32_0 = arith.constant 0 : i32
    %c0_i32_1 = arith.constant 0 : i32
    return %c0_i32, %c0_i32_0 : i32, i32
  }
  func.func @transform_1(%arg0: i32) -> (i32, i32) {
    %c0_i32 = arith.constant 0 : i32
    %c0_i32_0 = arith.constant 0 : i32
    %c0_i32_1 = arith.constant 0 : i32
    return %c0_i32, %c0_i32_0 : i32, i32
  }
  func.func @transform_2(%arg0: i32) -> (i32, i32) {
    %c0_i32 = arith.constant 0 : i32
    %c0_i32_0 = arith.constant 0 : i32
    %c0_i32_1 = arith.constant 0 : i32
    return %c0_i32, %c0_i32_0 : i32, i32
  }
  func.func @transform_3(%arg0: i32) -> (i32, i32) {
    %c0_i32 = arith.constant 0 : i32
    %c0_i32_0 = arith.constant 0 : i32
    %c0_i32_1 = arith.constant 0 : i32
    return %c0_i32, %c0_i32_0 : i32, i32
  }
  func.func @transform_4(%arg0: i32) -> (i32, i32) {
    %c0_i32 = arith.constant 0 : i32
    %c0_i32_0 = arith.constant 0 : i32
    %c0_i32_1 = arith.constant 0 : i32
    return %c0_i32, %c0_i32_0 : i32, i32
  }
  func.func @transform_5(%arg0: i32) -> (i32, i32) {
    %c0_i32 = arith.constant 0 : i32
    %c0_i32_0 = arith.constant 0 : i32
    %c0_i32_1 = arith.constant 0 : i32
    return %c0_i32, %c0_i32_0 : i32, i32
  }
  func.func @transform_6(%arg0: i32) -> (i32, i32) {
    %c0_i32 = arith.constant 0 : i32
    %c0_i32_0 = arith.constant 0 : i32
    %c0_i32_1 = arith.constant 0 : i32
    return %c0_i32, %c0_i32_0 : i32, i32
  }
}

module attributes {stable_mosaic.version = 14 : i64} {
  func.func @body(%arg0: i32, %arg1: memref<10000x16xf32, #tpu.memory_space<vmem>>, %arg2: memref<10000x16xf32, #tpu.memory_space<vmem>>, %arg3: memref<10000x16xf32, #tpu.memory_space<vmem>>, %arg4: memref<10000x1xf32, #tpu.memory_space<vmem>>, %arg5: memref<16x16xf32, #tpu.memory_space<vmem>>, %arg6: memref<1x16xf32, #tpu.memory_space<vmem>>, %arg7: memref<10000x16xf32, #tpu.memory_space<vmem>>) attributes {dimension_semantics = [#tpu.dimension_semantics<arbitrary>], iteration_bounds = array<i64: 1>, scalar_prefetch = 0 : i64, scratch_operands = 0 : i64, tpu.core_type = #tpu.core_type<tc>, window_params = [{transform_indices = @transform_0, window_bounds = array<i64: 10000, 16>}, {transform_indices = @transform_1, window_bounds = array<i64: 10000, 16>}, {transform_indices = @transform_2, window_bounds = array<i64: 10000, 16>}, {transform_indices = @transform_3, window_bounds = array<i64: 10000, 1>}, {pipeline_mode = #tpu.pipeline_mode<synchronous>, transform_indices = @transform_4, window_bounds = array<i64: 16, 16>}, {pipeline_mode = #tpu.pipeline_mode<synchronous>, transform_indices = @transform_5, window_bounds = array<i64: 1, 16>}, {pipeline_mode = #tpu.pipeline_mode<synchronous>, transform_indices = @transform_6, window_bounds = array<i64: 10000, 16>}]} {
    %get3A = arith.constant 0 : index
    %get3A_0 = arith.constant 0 : index
    %get3A_1 = vector.load %arg4[%get3A, %get3A_0] : memref<10000x1xf32, #tpu.memory_space<vmem>>, vector<10000x1xf32>
    %get3A_2 = arith.constant 0 : index
    %get3A_3 = arith.constant 0 : index
    %get3A_4 = vector.load %arg1[%get3A_2, %get3A_3] : memref<10000x16xf32, #tpu.memory_space<vmem>>, vector<10000x16xf32>
    %get3A_5 = arith.constant 0 : index
    %get3A_6 = arith.constant 0 : index
    %get3A_7 = vector.load %arg2[%get3A_5, %get3A_6] : memref<10000x16xf32, #tpu.memory_space<vmem>>, vector<10000x16xf32>
    %add3A = arith.addf %get3A_4, %get3A_7 : vector<10000x16xf32>
    %get3A_8 = arith.constant 0 : index
    %get3A_9 = arith.constant 0 : index
    %get3A_10 = vector.load %arg3[%get3A_8, %get3A_9] : memref<10000x16xf32, #tpu.memory_space<vmem>>, vector<10000x16xf32>
    %add3A_11 = arith.addf %add3A, %get3A_10 : vector<10000x16xf32>
    %mul3A = vector.broadcast %get3A_1 : vector<10000x1xf32> to vector<10000x16xf32>
    %mul3A_12 = arith.mulf %mul3A, %add3A_11 : vector<10000x16xf32>
    %max3A = arith.constant 0.000000e+00 : f32
    %max3A_13 = vector.broadcast %max3A : f32 to vector<10000x16xf32>
    %max3A_14 = arith.maximumf %mul3A_12, %max3A_13 : vector<10000x16xf32>
    %get3A_15 = arith.constant 0 : index
    %get3A_16 = arith.constant 0 : index
    %get3A_17 = vector.load %arg5[%get3A_15, %get3A_16] : memref<16x16xf32, #tpu.memory_space<vmem>>, vector<16x16xf32>
    %dot_general3A = arith.constant dense<0.000000e+00> : vector<10000x16xf32>
    %dot_general3A_18 = tpu.matmul %max3A_14, %get3A_17, %dot_general3A {dimension_numbers = #tpu.dot_dimension_numbers<[1], [0], [0], [1], [0, 0, 1, 1], [], []>, transpose_lhs_hint = false} : vector<10000x16xf32>, vector<16x16xf32>, vector<10000x16xf32> -> vector<10000x16xf32>
    %get3A_19 = arith.constant 0 : index
    %get3A_20 = arith.constant 0 : index
    %get3A_21 = vector.load %arg6[%get3A_19, %get3A_20] : memref<1x16xf32, #tpu.memory_space<vmem>>, vector<1x16xf32>
    %add3A_22 = vector.broadcast %get3A_21 : vector<1x16xf32> to vector<10000x16xf32>
    %add3A_23 = arith.addf %dot_general3A_18, %add3A_22 : vector<10000x16xf32>
    %reduce_max3A = arith.constant dense<0xFF800000> : vector<10000xf32>
    %reduce_max3A_24 = vector.multi_reduction <maximumf>, %add3A_23, %reduce_max3A [1] : vector<10000x16xf32> to vector<10000xf32>
    %broadcast_in_dim3A = vector.shape_cast %reduce_max3A_24 : vector<10000xf32> to vector<10000x1xf32>
    %sub3A = vector.broadcast %broadcast_in_dim3A : vector<10000x1xf32> to vector<10000x16xf32>
    %sub3A_25 = arith.subf %add3A_23, %sub3A : vector<10000x16xf32>
    %exp3A = math.exp %sub3A_25 : vector<10000x16xf32>
    %reduce_sum3A = arith.constant dense<0.000000e+00> : vector<10000xf32>
    %reduce_sum3A_26 = vector.multi_reduction <add>, %exp3A, %reduce_sum3A [1] : vector<10000x16xf32> to vector<10000xf32>
    %broadcast_in_dim3A_27 = vector.shape_cast %reduce_sum3A_26 : vector<10000xf32> to vector<10000x1xf32>
    %div3A = vector.broadcast %broadcast_in_dim3A_27 : vector<10000x1xf32> to vector<10000x16xf32>
    %div3A_28 = arith.divf %exp3A, %div3A : vector<10000x16xf32>
    %swap3A = arith.constant 0 : index
    %swap3A_29 = arith.constant 0 : index
    %swap3A_30 = vector.load %arg7[%swap3A, %swap3A_29] : memref<10000x16xf32, #tpu.memory_space<vmem>>, vector<10000x16xf32>
    tpu.vector_store %arg7[%swap3A, %swap3A_29], %div3A_28 {strides = array<i32>} : memref<10000x16xf32, #tpu.memory_space<vmem>>, vector<10000x16xf32>,
    return
  }
  func.func @transform_0(%arg0: i32) -> (i32, i32) {
    %c0_i32 = arith.constant 0 : i32
    %c0_i32_0 = arith.constant 0 : i32
    %c0_i32_1 = arith.constant 0 : i32
    return %c0_i32, %c0_i32_0 : i32, i32
  }
  func.func @transform_1(%arg0: i32) -> (i32, i32) {
    %c0_i32 = arith.constant 0 : i32
    %c0_i32_0 = arith.constant 0 : i32
    %c0_i32_1 = arith.constant 0 : i32
    return %c0_i32, %c0_i32_0 : i32, i32
  }
  func.func @transform_2(%arg0: i32) -> (i32, i32) {
    %c0_i32 = arith.constant 0 : i32
    %c0_i32_0 = arith.constant 0 : i32
    %c0_i32_1 = arith.constant 0 : i32
    return %c0_i32, %c0_i32_0 : i32, i32
  }
  func.func @transform_3(%arg0: i32) -> (i32, i32) {
    %c0_i32 = arith.constant 0 : i32
    %c0_i32_0 = arith.constant 0 : i32
    %c0_i32_1 = arith.constant 0 : i32
    return %c0_i32, %c0_i32_0 : i32, i32
  }
  func.func @transform_4(%arg0: i32) -> (i32, i32) {
    %c0_i32 = arith.constant 0 : i32
    %c0_i32_0 = arith.constant 0 : i32
    %c0_i32_1 = arith.constant 0 : i32
    return %c0_i32, %c0_i32_0 : i32, i32
  }
  func.func @transform_5(%arg0: i32) -> (i32, i32) {
    %c0_i32 = arith.constant 0 : i32
    %c0_i32_0 = arith.constant 0 : i32
    %c0_i32_1 = arith.constant 0 : i32
    return %c0_i32, %c0_i32_0 : i32, i32
  }
  func.func @transform_6(%arg0: i32) -> (i32, i32) {
    %c0_i32 = arith.constant 0 : i32
    %c0_i32_0 = arith.constant 0 : i32
    %c0_i32_1 = arith.constant 0 : i32
    return %c0_i32, %c0_i32_0 : i32, i32
  }
}

</mosaic_0001>

<sc_bundles>
// kernel: kernel.6.cloned.1.call-start
scs
__scs_entry_jumppad:
0x0: {  	(pc) =	sbr.rel $0x88, $3  }
0x1: {  	(tag) =	ssettag $0x0;
	lr =	simm.s32 $0x1  }
0x2: {  	[smem:$0x3F9B] =	sst lr;
	_ =	strace $0xD0000000  }
0x3: {  	_ = 	snop  }
0x4: {  	_ = 	snop  }
0x5: {  	_ = 	snop  }
0x6: {  	_ = 	snop  }
0x7: {  	_ = 	snop  }
__scs_overlays_trampoline_lowered:
0x8: {  	[smem:$0x3FAA] =	sst s0  }
0x9: {  	[smem:$0x3FAB] =	sst s1  }
0xa: {  	[smem:$0x3FAC] =	sst s2  }
0xb: {  	[smem:$0x3FAD] =	sst s3  }
0xc: {  	[smem:$0x3FAE] =	sst s4  }
0xd: {  	[smem:$0x3FAF] =	sst s5  }
0xe: {  	[smem:$0x3FB0] =	sst s6  }
0xf: {  	[smem:$0x3FB1] =	sst s7  }
0x10: {  	[smem:$0x3FB2] =	sst s8  }
0x11: {  	[smem:$0x3FB3] =	sst s9;
	s0 =	simm.s32 @!p0 $0x0  }
0x12: {  	s1 =	sld [smem:$0x3F99];
	s0 =	simm.s32 @p0 $0x1  }
0x13: {  	[smem:$0x3FB4] =	sst s0;
	s0 =	simm.s32 @!p1 $0x0  }
0x14: {  	s2 =	sld [smem:$0x3F98];
	s0 =	simm.s32 @p1 $0x1  }
0x15: {  	[smem:$0x3FB5] =	sst s0;
	s0 =	simm.s32 @!p2 $0x0  }
0x16: {  	s3 =	sld [smem:$0x3FDB];
	s0 =	simm.s32 @p2 $0x1  }
0x17: {  	s4 =	simm.s32 $0x1BF5;
	[smem:$0x3FB7] =	sst s0  }
0x18: {  	s0 =	sld [smem:$0x3F9A];
	_ =	swait.ge [sflag:s4], $0x0  }
0x19: {  	s7 =	sld [smem:$0x3F9B]  }
0x1a: {  	s8 =	sadd.s32 $0xFFFFE003, lr  }
0x1b: {  	s9 =	sadd.s32 $0xFFFFFEF7, lr;
	s5 =	simm.s32 $0xFFFFFFFF;
	p2 =	slt.u32 s8, $0xFFFFF086  }
0x1c: {  	p1 =	slt.u32 s9, $0xF7A;
	s5 =	simm.s32 @!p2 $0x0  }
0x1d: {  	s5 =	simm.s32 @p1 $0x1;
	p0 =	seq.s32 s7, s2  }
0x1e: {  	s7 =	smul.u32 @!p0 $0xF7A, s2;
	p2 =	seq.s32 @!p0 s5, $0x0  }
0x1f: {  	s9 =	smul.u32 $0xF7A, s1;
	s8 =	simm.s32 @!p0 $0x1BF5;
	p2 =	por !p2, p0  }
0x20: {  	[sflag:s8] =	ssyncset.s32 @!p0 $0xFFFFF086;
	s6 =	sadd.s32 @!p0 s3, s7;
	s7 =	simm.s32 @!p0 $0x108  }
0x21: {  	s3 =	sadd.s32 s3, s9;
	s6 =	sadd.s32 @!p0 $0x88, s6;
	s7 =	simm.s32 @p2 $0x1082  }
0x22: {  	[simem:s7], [sflag:s8] =	dma.local @!p0 [hbm:s6], $0xF7A  }
0x23: {  	s9 =	sor.u32 $0xD0000000, s2;
	s6 =	simm.s32 $0x108;
	_ =	swait.ge @!p0 [sflag:s8], $0x0  }
0x24: {  	s3 =	sadd.s32 $0x88, s3;
	s6 =	simm.s32 @!p1 $0x1082;
	[sflag:s4] =	ssyncset.s32 $0xFFFFF086  }
0x25: {  	[simem:s6], [sflag:s4] =	dma.local [hbm:s3], $0xF7A  }
0x26: {  	[smem:$0x3F9B] =	sst s1;
	(tag) =	ssettag s2;
	_ =	strace s9  }
0x27: {  	s1 =	sld [smem:$0x3FAB]  }
0x28: {  	s2 =	sld [smem:$0x3FAC]  }
0x29: {  	s4 =	sld [smem:$0x3FAE]  }
0x2a: {  	p0 =	seq.s32 s5, $0x0;
	s5 =	sld [smem:$0x3FAF]  }
0x2b: {  	s6 =	sld [smem:$0x3FB0]  }
0x2c: {  	s7 =	sld [smem:$0x3FB1]  }
0x2d: {  	s3 =	simm.s32 $0x108;
	s8 =	sld [smem:$0x3FB2]  }
0x2e: {  	s3 =	simm.s32 @!p0 $0x1082;
	s9 =	sld [smem:$0x3FB3]  }
0x2f: {  	lr =	sadd.s32 s0, s3;
	s0 =	sld [smem:$0x3FAA]  }
0x30: {  	s3 =	sld [smem:$0x3FAD]  }
0x31: {  	[smem:$0x3FB6] =	sst s10  }
0x32: {  	s10 =	sld [smem:$0x3FB4];
	_ =	sdelay $0x3  }
0x33: {  	p0 =	seq.s32 s10, $0x1;
	s10 =	sld [smem:$0x3FB6];
	_ =	sdelay $0x3  }
0x34: {  	[smem:$0x3FB6] =	sst s10  }
0x35: {  	s10 =	sld [smem:$0x3FB5];
	_ =	sdelay $0x3  }
0x36: {  	p1 =	seq.s32 s10, $0x1;
	s10 =	sld [smem:$0x3FB6];
	_ =	sdelay $0x3  }
0x37: {  	[smem:$0x3FB6] =	sst s10  }
0x38: {  	s10 =	sld [smem:$0x3FB7]  }
0x39: {  	_ = 	snop;
	(pc) =	sbr.ind lr, $3  }
0x3a: {  	_ = 	snop  }
0x3b: {  	_ = 	snop  }
0x3c: {  	p2 =	seq.s32 s10, $0x1;
	s10 =	sld [smem:$0x3FB6]  }
0x3d: {  	_ =	shalt  }
0x3e: {  	_ =	shalt  }
0x3f: {  	_ =	shalt  }
0x40: {  	_ =	shalt  }
0x41: {  	_ =	shalt  }
0x42: {  	_ =	shalt  }
0x43: {  	_ =	shalt  }
0x44: {  	_ =	shalt  }
0x45: {  	_ =	shalt  }
0x46: {  	_ =	shalt  }
0x47: {  	_ =	shalt  }
0x48: {  	_ =	shalt  }
0x49: {  	_ =	shalt  }
0x4a: {  	_ =	shalt  }
0x4b: {  	_ =	shalt  }
0x4c: {  	_ =	shalt  }
0x4d: {  	_ =	shalt  }
0x4e: {  	_ =	shalt  }
0x4f: {  	_ =	shalt  }
0x50: {  	_ =	shalt  }
0x51: {  	_ =	shalt  }
0x52: {  	_ =	shalt  }
0x53: {  	_ =	shalt  }
0x54: {  	_ =	shalt  }
0x55: {  	_ =	shalt  }
0x56: {  	_ =	shalt  }
0x57: {  	_ =	shalt  }
0x58: {  	_ =	shalt  }
0x59: {  	_ =	shalt  }
0x5a: {  	_ =	shalt  }
0x5b: {  	_ =	shalt  }
0x5c: {  	_ =	shalt  }
0x5d: {  	_ =	shalt  }
0x5e: {  	_ =	shalt  }
0x5f: {  	_ =	shalt  }
0x60: {  	_ =	shalt  }
0x61: {  	_ =	shalt  }
0x62: {  	_ =	shalt  }
0x63: {  	_ =	shalt  }
0x64: {  	_ =	shalt  }
0x65: {  	_ =	shalt  }
0x66: {  	_ =	shalt  }
0x67: {  	_ =	shalt  }
0x68: {  	_ =	shalt  }
0x69: {  	_ =	shalt  }
0x6a: {  	_ =	shalt  }
0x6b: {  	_ =	shalt  }
0x6c: {  	_ =	shalt  }
0x6d: {  	_ =	shalt  }
0x6e: {  	_ =	shalt  }
0x6f: {  	_ =	shalt  }
0x70: {  	_ =	shalt  }
0x71: {  	_ =	shalt  }
0x72: {  	_ =	shalt  }
0x73: {  	_ =	shalt  }
0x74: {  	_ =	shalt  }
0x75: {  	_ =	shalt  }
0x76: {  	_ =	shalt  }
0x77: {  	_ =	shalt  }
0x78: {  	_ =	shalt  }
0x79: {  	_ =	shalt  }
0x7a: {  	_ =	shalt  }
0x7b: {  	_ =	shalt  }
0x7c: {  	_ =	shalt  }
0x7d: {  	_ =	shalt  }
0x7e: {  	_ =	shalt  }
0x7f: {  	_ =	shalt  }
0x80: {  	_ =	shalt  }
0x81: {  	_ =	shalt  }
0x82: {  	_ =	shalt  }
0x83: {  	_ =	shalt  }
0x84: {  	_ =	shalt  }
0x85: {  	_ =	shalt  }
0x86: {  	_ =	shalt  }
0x87: {  	_ =	shalt  }
.Lfunc_end0:
.L_simem_size_0:
called_computation_lowered:
.L_overlay_start_0:
0x88: {  	s2 =	sld [smem:$0x3FD9]  }
0x89: {  	s3 =	sld [smem:$0x3FFE];
	_ =	sdelay $0x1  }
0x8a: {  	s1 =	srdreg.scid  }
0x8b: {  	s0 =	sand.u32 $0x1, s1  }
0x8c: {  	s17 =	sshll.u32 s0, $0xA;
	s2 =	sadd.s32 s3, s2  }
0x8d: {  	s2 =	sadd.s32 s2, s17  }
0x8e: {  	[smem:$0x3FC2] =	sst s2  }
0x8f: {  	_ = 	snop  }
0x90: {  	s2 =	sld [smem:$0x3FD0];
	(tm) =	ssettm $0x1  }
0x91: {  	s18 =	sld [smem:$0x3FFB];
	_ =	sdelay $0x3  }
0x92: {  	_ =	strace s18  }
0x93: {  	s3 =	sld [smem:$0x3FFC];
	_ =	sdelay $0x3  }
0x94: {  	_ =	strace s3  }
0x95: {  	s3 =	sld [smem:$0x3FFD];
	_ =	sdelay $0x3  }
0x96: {  	_ =	strace s3  }
0x97: {  	_ =	strace $0x8FFFFFFF  }
0x98: {  	s19 =	sld [smem:$0x3FDB];
	_ =	sdelay $0x1  }
0x99: {  	s4 =	simm.s32 $_scs_section_size  }
0x9a: {  	s5 =	simm.s32 $_size__tile_overlayer_lowered;
	s6 =	simm.s32 $_tile_overlayer_lowered  }
0x9b: {  	s22 =	simm.s32 $0x1BFF;
	s21 =	sshll.u32 s6, $0x1;
	s3 =	sadd.s32 s4, s19  }
0x9c: {  	s7 =	simm.s32 $0x0;
	s20 =	sshll.u32 s5, $0x1;
	s5 =	sadd.s32 s21, s3  }
0x9d: {  	[timem:s7], [sflag:s22] =	dma.local [hbm:s5], s20  }
0x9e: {  	_ =	swait.ge [sflag:s22], s20  }
0x9f: {  	s4 =	ssub.s32 $0x0, s20;
	[sflag:s22] =	ssyncset.done $0x0  }
0xa0: {  	[sflag:s22] =	ssyncadd.s32 s4;
	_ =	sdelay $0x1  }
0xa1: {  	s23 =	simm.s32 $0x1B8B  }
0xa2: {  	_ =	swait.ge [sflag:s23], $0x1  }
0xa3: {  	[sflag:s23] =	ssyncset.done $0x0  }
0xa4: {  	s25 =	simm.s32 $0x1B8E;
	s24 =	sld [smem:$0x3FFE];
	[sflag:s23] =	ssyncadd.s32 $0xFFFFFFFF  }
0xa5: {  	s26 =	simm.s32 $execute0_lowered;
	[smem:$0x3FD2] =	sst s25  }
0xa6: {  	s5 =	sshll.u32 s26, $0x1;
	_ =	strace $0x80000046;
	[dreg:$0x1] =	wrdreg $0xFFFFFFFF  }
0xa7: {  	s28 =	simm.s32 $_size_execute0_lowered;
	s3 =	sadd.s32 s3, s5;
	[dreg:$0x0] =	wrdreg $0x0  }
0xa8: {  	s5 =	sshll.u32 s28, $0x1;
	[dreg:$0x2] =	wrdreg s3  }
0xa9: {  	[dreg:$0x3] =	wrdreg s5  }
0xaa: {  	[dreg:$0x4] =	wrdreg $0xC0  }
0xab: {  	_ =	task [dreg:s7], $0x5FFFF  }
0xac: {  	[dreg:$0x1] =	wrdreg $0xFFFFFFFF  }
0xad: {  	[dreg:$0x0] =	wrdreg $0x60  }
0xae: {  	[dreg:$0x2] =	wrdreg s24  }
0xaf: {  	[dreg:$0x3] =	wrdreg s2  }
0xb0: {  	[dreg:$0x4] =	wrdreg $0x0  }
0xb1: {  	[dreg:$0x5] =	wrdreg $0x9  }
0xb2: {  	_ =	task.clear_ibuf [dreg:s7], $0x6FFFF;
	_ =	strace $0x90000046  }
0xb3: {  	s29 =	simm.s32 $0x9;
	_ =	strace $0x80000048  }
0xb4: {  	_ =	swait.ge [sflag:s29], $0x1  }
0xb5: {  	[sflag:s29] =	ssyncadd.s32 $0xFFFFFFFF  }
0xb6: {  	_ =	strace $0x90000048  }
0xb7: {  	_ =	sfence  }
0xb8: {  	s30 =	sld [smem:$0x0];
	_ =	sdelay $0x2  }
0xb9: {  	s31 =	sshll.u32 s1, $0xD;
	s1 =	sshrl.u32 s1, $0x2  }
0xba: {  	s3 =	sand.u32 $0x4000, s31;
	s1 =	sadd.s32 s1, s30  }
0xbb: {  	s0 =	sor.u32 s3, s0;
	s1 =	sshll.u32 s1, $0x11  }
0xbc: {  	s0 =	sor.u32 s1, s0  }
0xbd: {  	s0 =	sadd.s32 $0x8F2B, s0  }
0xbe: {  	[sflag:s0] =	ssyncadd.remote.s32 $0x1  }
0xbf: {  	_ =	sfence.sel $0xFFFF  }
0xc0: {  	[dreg:$0x0] =	wrdreg $0xFFFFFFFF;
	(pc) =	sbr.abs _section_cstart, $3  }
0xc1: {  	[dreg:$0x1] =	wrdreg $0xFFFFFFFF  }
0xc2: {  	_ =	task.clear_ibuf [dreg:s7], $0x2FFFF;
	_ =	strace $0x9FFFFFFF  }
0xc3: {  	(tm) =	ssettm $0x7FFFFFFF  }
tec
execute0_lowered:
.L_overlay_start_1:
0x0: {  	(tag) =	ssettag $0x1  }
0x1: {  	s5 =	rddreg [dreg:$0x0]  }
0x2: {  	s6 =	rddreg [dreg:$0x1]  }
0x3: {  	s0 =	srdreg.scid;
	s2 =	rddreg [dreg:$0x2];
	s3 =	simm.s32 $0x0  }
0x4: {  	s11 =	simm.s32 $0x7D;
	s12 =	simm.s32 $0x2A80;
	s13 =	simm.s32 $0x1  }
0x5: {  	s16 =	simm.s32 $0x0;
	s4 =	sand.u32 $0x1, s0;
	s0 =	stileid.u32  }
0x6: {  	[smem:$0x7FF] =	sst s3;
	s1 =	sshll.u32 s4, $0x4;
	s8 =	smul.u32 $0x280, s0  }
0x7: {  	s9 =	ssub.s32 $0x2, s4;
	s4 =	smul.u32 $0x2800, s4;
	s14 =	sshll.u32 s0, $0x6  }
0x8: {  	s1 =	sor.u32 s0, s1;
	s10 =	sshrl.u32 s9, $0x1;
	s14 =	sor.u32 $0x1C02, s14  }
0x9: {  	s7 =	smul.u32 $0x500, s1;
	s1 =	rddreg [dreg:$0x3];
	_ =	strace $0x80000047  }
0xa: {  	s29 =	ssub.s32 s9, s10;
	s30 =	sadd.s32 s8, s4;
	s9 =	simm.s32 $0x2  }
0xb: {  	s10 =	simm.s32 $0x2B00;
	s31 =	sshrl.u32 s30, $0x3;
	s5 =	sadd.s32 s7, s5  }
0xc: {  	s6 =	sadd.s32 s6, s31;
	s4 =	sadd.s32 $0x1800, s5;
	s5 =	sadd.s32 s8, s2  }
0xd: {  	v0 =	vimm.f32 $1.000000000e+00;
	v1 =	vimm.f32 $0.0e+00;
	s7 =	smax.u32 s29, $0x1;
	s8 =	simm.s32 $0x280;
	s15 =	sshrl.u32 s5, $0x3  }
.LBB2_1:
0xe: {  	[tilespmem:s8], [sflag:$0x2] =	stream.linear.gather [hbm4b:s4+s3], $0x2800, $0x38;
	[tilespmem:$0x2D80] =	vst v63  }
0xf: {  	_ =	swait.ge [sflag:s9], $0x2800  }
0x10: {  	[sflag:s9] =	ssyncset.done $0x0  }
0x11: {  	[sflag:s9] =	ssyncadd.s32 $0xFFFFD800  }
0x12: {  	[tilespmem:$0x2A80] =	vst v0  }
0x13: {  	[tilespmem:$0x2A90] =	vst v0  }
0x14: {  	[tilespmem:$0x2AA0] =	vst v0  }
0x15: {  	[tilespmem:$0x2AB0] =	vst v0  }
0x16: {  	[tilespmem:$0x2AC0] =	vst v0  }
0x17: {  	[tilespmem:$0x2AD0] =	vst v0  }
0x18: {  	[tilespmem:$0x2AE0] =	vst v0  }
0x19: {  	[tilespmem:$0x2AF0] =	vst v0  }
0x1a: {  	[tilespmem:$0x2B00] =	vst v1  }
0x1b: {  	[tilespmem:$0x2B10] =	vst v1  }
0x1c: {  	[tilespmem:$0x2B20] =	vst v1  }
0x1d: {  	[tilespmem:$0x2B30] =	vst v1  }
0x1e: {  	[tilespmem:$0x2B40] =	vst v1  }
0x1f: {  	[tilespmem:$0x2B50] =	vst v1  }
0x20: {  	[tilespmem:$0x2B60] =	vst v1  }
0x21: {  	[tilespmem:$0x2B70] =	vst v1  }
0x22: {  	[tilespmem:$0x2B80] =	vst v1  }
0x23: {  	[tilespmem:$0x2B90] =	vst v1  }
0x24: {  	[tilespmem:$0x2BA0] =	vst v1  }
0x25: {  	[tilespmem:$0x2BB0] =	vst v1  }
0x26: {  	[tilespmem:$0x2BC0] =	vst v1  }
0x27: {  	[tilespmem:$0x2BD0] =	vst v1  }
0x28: {  	[tilespmem:$0x2BE0] =	vst v1  }
0x29: {  	[tilespmem:$0x2BF0] =	vst v1  }
0x2a: {  	[tilespmem:$0x2C00] =	vst v1  }
0x2b: {  	[tilespmem:$0x2C10] =	vst v1  }
0x2c: {  	[tilespmem:$0x2C20] =	vst v1  }
0x2d: {  	[tilespmem:$0x2C30] =	vst v1  }
0x2e: {  	[tilespmem:$0x2C40] =	vst v1  }
0x2f: {  	[tilespmem:$0x2C50] =	vst v1  }
0x30: {  	[tilespmem:$0x2C60] =	vst v1  }
0x31: {  	[tilespmem:$0x2C70] =	vst v1  }
0x32: {  	[tilespmem:$0x2C80] =	vst v1  }
0x33: {  	[tilespmem:$0x2C90] =	vst v1  }
0x34: {  	[tilespmem:$0x2CA0] =	vst v1  }
0x35: {  	[tilespmem:$0x2CB0] =	vst v1  }
0x36: {  	[tilespmem:$0x2CC0] =	vst v1  }
0x37: {  	[tilespmem:$0x2CD0] =	vst v1  }
0x38: {  	[tilespmem:$0x2CE0] =	vst v1  }
0x39: {  	[tilespmem:$0x2CF0] =	vst v1  }
0x3a: {  	[tilespmem:$0x2D00] =	vst v1  }
0x3b: {  	[tilespmem:$0x2D10] =	vst v1  }
0x3c: {  	[tilespmem:$0x2D20] =	vst v1  }
0x3d: {  	[tilespmem:$0x2D30] =	vst v1  }
0x3e: {  	[tilespmem:$0x2D40] =	vst v1  }
0x3f: {  	[tilespmem:$0x2D50] =	vst v1  }
0x40: {  	[tilespmem:$0x2D60] =	vst v1  }
0x41: {  	[tilespmem:$0x2D70] =	vst v1  }
0x42: {  	[spmem:s5] =	stream.linear.scatter [tilespmem:s10], [sflag:$0x2], $0x280, $0x38;
	[tilespmem:$0x2D80] =	vst v63  }
0x43: {  	_ =	swait.ge [sflag:s9], $0x280  }
0x44: {  	[sflag:s9] =	ssyncset.done $0x0  }
0x45: {  	[sflag:s9] =	ssyncadd.s32 $0xFFFFFD80  }
0x46: {  	s17 =	simm.s32 $0x280;
	[bflag:$0x0] =	sbarrier.arrive $0xFFFF  }
0x47: {  	[spmem:s2] =	stream.indirect.scatter.add.f32 [tilespmem:s12], [sflag:$0x1], $0x1, s17, s11, $0xb8;
	[tilespmem:$0x2D80] =	vst v63  }
0x48: {  	s22 =	simm.s32 $0x300  }
0x49: {  	[spmem:s2] =	stream.indirect.scatter.add.f32 [tilespmem:s12], [sflag:$0x1], $0x1, s22, s11, $0xb8;
	[tilespmem:$0x2D80] =	vst v63  }
0x4a: {  	s23 =	simm.s32 $0x380  }
0x4b: {  	[spmem:s2] =	stream.indirect.scatter.add.f32 [tilespmem:s12], [sflag:$0x1], $0x1, s23, s11, $0xb8;
	[tilespmem:$0x2D80] =	vst v63  }
0x4c: {  	s24 =	simm.s32 $0x400  }
0x4d: {  	[spmem:s2] =	stream.indirect.scatter.add.f32 [tilespmem:s12], [sflag:$0x1], $0x1, s24, s11, $0xb8;
	[tilespmem:$0x2D80] =	vst v63  }
0x4e: {  	s25 =	simm.s32 $0x480  }
0x4f: {  	[spmem:s2] =	stream.indirect.scatter.add.f32 [tilespmem:s12], [sflag:$0x1], $0x1, s25, s11, $0xb8;
	[tilespmem:$0x2D80] =	vst v63  }
0x50: {  	s26 =	simm.s32 $0x500  }
0x51: {  	[spmem:s2] =	stream.indirect.scatter.add.f32 [tilespmem:s12], [sflag:$0x1], $0x1, s26, s11, $0xb8;
	[tilespmem:$0x2D80] =	vst v63  }
0x52: {  	s28 =	simm.s32 $0x580  }
0x53: {  	[spmem:s2] =	stream.indirect.scatter.add.f32 [tilespmem:s12], [sflag:$0x1], $0x1, s28, s11, $0xb8;
	[tilespmem:$0x2D80] =	vst v63  }
0x54: {  	s29 =	simm.s32 $0x600  }
0x55: {  	[spmem:s2] =	stream.indirect.scatter.add.f32 [tilespmem:s12], [sflag:$0x1], $0x1, s29, s11, $0xb8;
	[tilespmem:$0x2D80] =	vst v63  }
0x56: {  	s30 =	simm.s32 $0x680  }
0x57: {  	[spmem:s2] =	stream.indirect.scatter.add.f32 [tilespmem:s12], [sflag:$0x1], $0x1, s30, s11, $0xb8;
	[tilespmem:$0x2D80] =	vst v63  }
0x58: {  	s31 =	simm.s32 $0x700  }
0x59: {  	[spmem:s2] =	stream.indirect.scatter.add.f32 [tilespmem:s12], [sflag:$0x1], $0x1, s31, s11, $0xb8;
	[tilespmem:$0x2D80] =	vst v63  }
0x5a: {  	_ =	swait.ge [sflag:s13], $0x7D  }
0x5b: {  	[sflag:s13] =	ssyncset.done $0x0  }
0x5c: {  	[sflag:s13] =	ssyncadd.s32 $0xFFFFFF83  }
0x5d: {  	_ =	swait.ge [sflag:s13], $0x7D  }
0x5e: {  	[sflag:s13] =	ssyncset.done $0x0  }
0x5f: {  	[sflag:s13] =	ssyncadd.s32 $0xFFFFFF83  }
0x60: {  	_ =	swait.ge [sflag:s13], $0x7D  }
0x61: {  	[sflag:s13] =	ssyncset.done $0x0  }
0x62: {  	[sflag:s13] =	ssyncadd.s32 $0xFFFFFF83  }
0x63: {  	_ =	swait.ge [sflag:s13], $0x7D  }
0x64: {  	[sflag:s13] =	ssyncset.done $0x0  }
0x65: {  	[sflag:s13] =	ssyncadd.s32 $0xFFFFFF83  }
0x66: {  	_ =	swait.ge [sflag:s13], $0x7D  }
0x67: {  	[sflag:s13] =	ssyncset.done $0x0  }
0x68: {  	[sflag:s13] =	ssyncadd.s32 $0xFFFFFF83  }
0x69: {  	_ =	swait.ge [sflag:s13], $0x7D  }
0x6a: {  	[sflag:s13] =	ssyncset.done $0x0  }
0x6b: {  	[sflag:s13] =	ssyncadd.s32 $0xFFFFFF83  }
0x6c: {  	_ =	swait.ge [sflag:s13], $0x7D  }
0x6d: {  	[sflag:s13] =	ssyncset.done $0x0  }
0x6e: {  	[sflag:s13] =	ssyncadd.s32 $0xFFFFFF83  }
0x6f: {  	_ =	swait.ge [sflag:s13], $0x7D  }
0x70: {  	[sflag:s13] =	ssyncset.done $0x0  }
0x71: {  	[sflag:s13] =	ssyncadd.s32 $0xFFFFFF83  }
0x72: {  	_ =	swait.ge [sflag:s13], $0x7D  }
0x73: {  	[sflag:s13] =	ssyncset.done $0x0  }
0x74: {  	[sflag:s13] =	ssyncadd.s32 $0xFFFFFF83  }
0x75: {  	_ =	swait.ge [sflag:s13], $0x7D  }
0x76: {  	s20 =	simm.s32 $0x2800;
	s19 =	simm.s32 $0x500;
	[sflag:s13] =	ssyncset.done $0x0  }
.LBB2_2:
0x77: {  	s21 =	sadd.s32 $0x280, s19  }
0x78: {  	[sflag:s13] =	ssyncadd.s32 $0xFFFFFF83;
	s18 =	smov.u32 s20;
	s17 =	sadd.s32 $0x1400, s20  }
0x79: {  	[spmem:s2] =	stream.indirect.scatter.add.f32 [tilespmem:s12], [sflag:$0x1], $0x1, s21, s11, $0xb8;
	[tilespmem:$0x2D80] =	vst v63  }
0x7a: {  	p0 =	sne.s32 s20, $0x8C00;
	s20 =	sadd.s32 $0x300, s19  }
0x7b: {  	[spmem:s2] =	stream.indirect.scatter.add.f32 [tilespmem:s12], [sflag:$0x1], $0x1, s20, s11, $0xb8;
	[tilespmem:$0x2D80] =	vst v63  }
0x7c: {  	s20 =	sadd.s32 $0x380, s19  }
0x7d: {  	[spmem:s2] =	stream.indirect.scatter.add.f32 [tilespmem:s12], [sflag:$0x1], $0x1, s20, s11, $0xb8;
	[tilespmem:$0x2D80] =	vst v63  }
0x7e: {  	s20 =	sadd.s32 $0x400, s19  }
0x7f: {  	[spmem:s2] =	stream.indirect.scatter.add.f32 [tilespmem:s12], [sflag:$0x1], $0x1, s20, s11, $0xb8;
	[tilespmem:$0x2D80] =	vst v63  }
0x80: {  	s20 =	sadd.s32 $0x480, s19  }
0x81: {  	[spmem:s2] =	stream.indirect.scatter.add.f32 [tilespmem:s12], [sflag:$0x1], $0x1, s20, s11, $0xb8;
	[tilespmem:$0x2D80] =	vst v63  }
0x82: {  	s20 =	sadd.s32 $0x500, s19  }
0x83: {  	[spmem:s2] =	stream.indirect.scatter.add.f32 [tilespmem:s12], [sflag:$0x1], $0x1, s20, s11, $0xb8;
	[tilespmem:$0x2D80] =	vst v63  }
0x84: {  	s20 =	sadd.s32 $0x580, s19  }
0x85: {  	[spmem:s2] =	stream.indirect.scatter.add.f32 [tilespmem:s12], [sflag:$0x1], $0x1, s20, s11, $0xb8;
	[tilespmem:$0x2D80] =	vst v63  }
0x86: {  	s20 =	sadd.s32 $0x600, s19  }
0x87: {  	[spmem:s2] =	stream.indirect.scatter.add.f32 [tilespmem:s12], [sflag:$0x1], $0x1, s20, s11, $0xb8;
	[tilespmem:$0x2D80] =	vst v63  }
0x88: {  	s20 =	sadd.s32 $0x680, s19  }
0x89: {  	[spmem:s2] =	stream.indirect.scatter.add.f32 [tilespmem:s12], [sflag:$0x1], $0x1, s20, s11, $0xb8;
	[tilespmem:$0x2D80] =	vst v63  }
0x8a: {  	s19 =	sadd.s32 $0x700, s19  }
0x8b: {  	[spmem:s2] =	stream.indirect.scatter.add.f32 [tilespmem:s12], [sflag:$0x1], $0x1, s19, s11, $0xb8;
	[tilespmem:$0x2D80] =	vst v63  }
0x8c: {  	_ =	swait.ge [sflag:s13], $0x7D  }
0x8d: {  	[sflag:s13] =	ssyncset.done $0x0  }
0x8e: {  	[sflag:s13] =	ssyncadd.s32 $0xFFFFFF83  }
0x8f: {  	_ =	swait.ge [sflag:s13], $0x7D  }
0x90: {  	[sflag:s13] =	ssyncset.done $0x0  }
0x91: {  	[sflag:s13] =	ssyncadd.s32 $0xFFFFFF83  }
0x92: {  	_ =	swait.ge [sflag:s13], $0x7D  }
0x93: {  	[sflag:s13] =	ssyncset.done $0x0  }
0x94: {  	[sflag:s13] =	ssyncadd.s32 $0xFFFFFF83  }
0x95: {  	_ =	swait.ge [sflag:s13], $0x7D  }
0x96: {  	[sflag:s13] =	ssyncset.done $0x0  }
0x97: {  	[sflag:s13] =	ssyncadd.s32 $0xFFFFFF83  }
0x98: {  	_ =	swait.ge [sflag:s13], $0x7D  }
0x99: {  	[sflag:s13] =	ssyncset.done $0x0  }
0x9a: {  	[sflag:s13] =	ssyncadd.s32 $0xFFFFFF83  }
0x9b: {  	_ =	swait.ge [sflag:s13], $0x7D  }
0x9c: {  	[sflag:s13] =	ssyncset.done $0x0  }
0x9d: {  	[sflag:s13] =	ssyncadd.s32 $0xFFFFFF83  }
0x9e: {  	_ =	swait.ge [sflag:s13], $0x7D  }
0x9f: {  	[sflag:s13] =	ssyncset.done $0x0  }
0xa0: {  	[sflag:s13] =	ssyncadd.s32 $0xFFFFFF83  }
0xa1: {  	_ =	swait.ge [sflag:s13], $0x7D  }
0xa2: {  	[sflag:s13] =	ssyncset.done $0x0  }
0xa3: {  	[sflag:s13] =	ssyncadd.s32 $0xFFFFFF83  }
.Ltmp0:
0xa4: {  	_ =	swait.ge [sflag:s13], $0x7D;
	(pc) =	sbr.rel @p0 .LBB2_2-.Ltmp0, $4  }
0xa5: {  	[sflag:s13] =	ssyncset.done $0x0  }
0xa6: {  	[sflag:s13] =	ssyncadd.s32 $0xFFFFFF83  }
0xa7: {  	_ =	swait.ge [sflag:s13], $0x7D  }
0xa8: {  	s20 =	smov.u32 s17;
	s19 =	sshra.s32 s18, $0x2;
	[sflag:s13] =	ssyncset.done $0x0  }
0xa9: {  	s17 =	sadd.s32 $0x280, s19;
	[sflag:s13] =	ssyncadd.s32 $0xFFFFFF83  }
0xaa: {  	[spmem:s2] =	stream.indirect.scatter.add.f32 [tilespmem:s12], [sflag:$0x1], $0x1, s17, s11, $0xb8;
	[tilespmem:$0x2D80] =	vst v63  }
0xab: {  	s22 =	sadd.s32 $0x300, s19  }
0xac: {  	[spmem:s2] =	stream.indirect.scatter.add.f32 [tilespmem:s12], [sflag:$0x1], $0x1, s22, s11, $0xb8;
	[tilespmem:$0x2D80] =	vst v63  }
0xad: {  	s23 =	sadd.s32 $0x380, s19  }
0xae: {  	[spmem:s2] =	stream.indirect.scatter.add.f32 [tilespmem:s12], [sflag:$0x1], $0x1, s23, s11, $0xb8;
	[tilespmem:$0x2D80] =	vst v63  }
0xaf: {  	s24 =	sadd.s32 $0x400, s19  }
0xb0: {  	[spmem:s2] =	stream.indirect.scatter.add.f32 [tilespmem:s12], [sflag:$0x1], $0x1, s24, s11, $0xb8;
	[tilespmem:$0x2D80] =	vst v63  }
0xb1: {  	s25 =	sadd.s32 $0x480, s19  }
0xb2: {  	[spmem:s2] =	stream.indirect.scatter.add.f32 [tilespmem:s12], [sflag:$0x1], $0x1, s25, s11, $0xb8;
	[tilespmem:$0x2D80] =	vst v63  }
0xb3: {  	s26 =	sadd.s32 $0x500, s19  }
0xb4: {  	[spmem:s2] =	stream.indirect.scatter.add.f32 [tilespmem:s12], [sflag:$0x1], $0x1, s26, s11, $0xb8;
	[tilespmem:$0x2D80] =	vst v63  }
0xb5: {  	s28 =	sadd.s32 $0x580, s19  }
0xb6: {  	[spmem:s2] =	stream.indirect.scatter.add.f32 [tilespmem:s12], [sflag:$0x1], $0x1, s28, s11, $0xb8;
	[tilespmem:$0x2D80] =	vst v63  }
0xb7: {  	s29 =	sadd.s32 $0x600, s19  }
0xb8: {  	[spmem:s2] =	stream.indirect.scatter.add.f32 [tilespmem:s12], [sflag:$0x1], $0x1, s29, s11, $0xb8;
	[tilespmem:$0x2D80] =	vst v63  }
0xb9: {  	s30 =	sadd.s32 $0x680, s19  }
0xba: {  	[spmem:s2] =	stream.indirect.scatter.add.f32 [tilespmem:s12], [sflag:$0x1], $0x1, s30, s11, $0xb8;
	[tilespmem:$0x2D80] =	vst v63  }
0xbb: {  	s31 =	sadd.s32 $0x700, s19  }
0xbc: {  	[spmem:s2] =	stream.indirect.scatter.add.f32 [tilespmem:s12], [sflag:$0x1], $0x1, s31, s11, $0xb8;
	[tilespmem:$0x2D80] =	vst v63  }
0xbd: {  	_ =	swait.ge [sflag:s13], $0x7D  }
0xbe: {  	[sflag:s13] =	ssyncset.done $0x0  }
0xbf: {  	[sflag:s13] =	ssyncadd.s32 $0xFFFFFF83  }
0xc0: {  	_ =	swait.ge [sflag:s13], $0x7D  }
0xc1: {  	[sflag:s13] =	ssyncset.done $0x0  }
0xc2: {  	[sflag:s13] =	ssyncadd.s32 $0xFFFFFF83  }
0xc3: {  	_ =	swait.ge [sflag:s13], $0x7D  }
0xc4: {  	[sflag:s13] =	ssyncset.done $0x0  }
0xc5: {  	[sflag:s13] =	ssyncadd.s32 $0xFFFFFF83  }
0xc6: {  	_ =	swait.ge [sflag:s13], $0x7D  }
0xc7: {  	[sflag:s13] =	ssyncset.done $0x0  }
0xc8: {  	[sflag:s13] =	ssyncadd.s32 $0xFFFFFF83  }
0xc9: {  	_ =	swait.ge [sflag:s13], $0x7D  }
0xca: {  	[sflag:s13] =	ssyncset.done $0x0  }
0xcb: {  	[sflag:s13] =	ssyncadd.s32 $0xFFFFFF83  }
0xcc: {  	_ =	swait.ge [sflag:s13], $0x7D  }
0xcd: {  	[sflag:s13] =	ssyncset.done $0x0  }
0xce: {  	[sflag:s13] =	ssyncadd.s32 $0xFFFFFF83  }
0xcf: {  	_ =	swait.ge [sflag:s13], $0x7D  }
0xd0: {  	[sflag:s13] =	ssyncset.done $0x0  }
0xd1: {  	[sflag:s13] =	ssyncadd.s32 $0xFFFFFF83  }
0xd2: {  	_ =	swait.ge [sflag:s13], $0x7D  }
0xd3: {  	[sflag:s13] =	ssyncset.done $0x0  }
0xd4: {  	[sflag:s13] =	ssyncadd.s32 $0xFFFFFF83  }
0xd5: {  	_ =	swait.ge [sflag:s13], $0x7D  }
0xd6: {  	[sflag:s13] =	ssyncset.done $0x0  }
0xd7: {  	[sflag:s13] =	ssyncadd.s32 $0xFFFFFF83  }
0xd8: {  	_ =	swait.ge [sflag:s13], $0x7D  }
0xd9: {  	s16 =	sadd.s32 $0x1, s16;
	[sflag:s13] =	ssyncset.done $0x0  }
0xda: {  	p0 =	sne.s32 s16, s7;
	[sflag:s13] =	ssyncadd.s32 $0xFFFFFF83  }
.Ltmp1:
0xdb: {  	[bflag:$0x0] =	sbarrier.arrive $0xFFFF;
	(pc) =	sbr.rel @p0 .LBB2_1-.Ltmp1, $4  }
0xdc: {  	[hbm:s6], [sflag:s14] =	dma.local [spmem:s15], $0x50  }
0xdd: {  	_ =	swait.ge [sflag:s9], $0x50  }
0xde: {  	[sflag:s9] =	ssyncset.done $0x0  }
0xdf: {  	[sflag:s9] =	ssyncadd.s32 $0xFFFFFFB0  }
0xe0: {  	_ =	sfence.sel $0x180000  }
0xe1: {  	[bflag:$0x0] =	sbarrier.arrive $0xFFFF  }
0xe2: {  	p0 =	sne.s32 s0, $0x0;
	_ =	strace $0x90000047  }
0xe3: {  	s0 =	sadd.s32 @!p0 $0x100000, s1;
	[bflag:$0x2] =	sbarrier.arrive $0xFFFF  }
0xe4: {  	[sflag:s0] =	ssyncadd.tile.s32 @!p0 $0x1;
	_ =	shalt  }
.Lfunc_end2:
_tile_overlayer_lowered:
.L_overlay_start_2:
0xe5: {  	(tag) =	ssettag $0x2  }
0xe6: {  	s0 =	rddreg [dreg:$0x0];
	s2 =	stileid.u32  }
0xe7: {  	s1 =	rddreg [dreg:$0x1];
	p0 =	sne.s32 s2, $0x0  }
0xe8: {  	s3 =	rddreg [dreg:$0x2];
	[bflag:$0x3] =	sbarrier.arrive $0xFFFF;
	s2 =	simm.s32 @!p0 $0x1C02  }
0xe9: {  	[timem:s3], [sflag:s2] =	dma.local @!p0 [hbm:s0], s1  }
0xea: {  	s0 =	simm.s32 @!p0 $0x2  }
0xeb: {  	_ =	swait.ge @!p0 [sflag:s0], s1  }
0xec: {  	s1 =	ssub.s32 @!p0 $0x0, s1;
	[sflag:s0] =	ssyncset.done @!p0 $0x0  }
0xed: {  	[sflag:s0] =	ssyncadd.s32 @!p0 s1  }
0xee: {  	[bflag:$0x3] =	sbarrier.arrive $0xFFFF  }
0xef: {  	_ =	shalt  }

// kernel: kernel.9.cloned.1.call-start
scs
__scs_entry_jumppad:
0x0: {  	(pc) =	sbr.rel $0x88, $3  }
0x1: {  	(tag) =	ssettag $0x0;
	lr =	simm.s32 $0x1  }
0x2: {  	[smem:$0x3F9B] =	sst lr;
	_ =	strace $0xD0000000  }
0x3: {  	_ = 	snop  }
0x4: {  	_ = 	snop  }
0x5: {  	_ = 	snop  }
0x6: {  	_ = 	snop  }
0x7: {  	_ = 	snop  }
__scs_overlays_trampoline_lowered:
0x8: {  	[smem:$0x3FAA] =	sst s0  }
0x9: {  	[smem:$0x3FAB] =	sst s1  }
0xa: {  	[smem:$0x3FAC] =	sst s2  }
0xb: {  	[smem:$0x3FAD] =	sst s3  }
0xc: {  	[smem:$0x3FAE] =	sst s4  }
0xd: {  	[smem:$0x3FAF] =	sst s5  }
0xe: {  	[smem:$0x3FB0] =	sst s6  }
0xf: {  	[smem:$0x3FB1] =	sst s7  }
0x10: {  	[smem:$0x3FB2] =	sst s8  }
0x11: {  	[smem:$0x3FB3] =	sst s9;
	s0 =	simm.s32 @!p0 $0x0  }
0x12: {  	s1 =	sld [smem:$0x3F99];
	s0 =	simm.s32 @p0 $0x1  }
0x13: {  	[smem:$0x3FB4] =	sst s0;
	s0 =	simm.s32 @!p1 $0x0  }
0x14: {  	s2 =	sld [smem:$0x3F98];
	s0 =	simm.s32 @p1 $0x1  }
0x15: {  	[smem:$0x3FB5] =	sst s0;
	s0 =	simm.s32 @!p2 $0x0  }
0x16: {  	s3 =	sld [smem:$0x3FDB];
	s0 =	simm.s32 @p2 $0x1  }
0x17: {  	s4 =	simm.s32 $0x1BF5;
	[smem:$0x3FB7] =	sst s0  }
0x18: {  	s0 =	sld [smem:$0x3F9A];
	_ =	swait.ge [sflag:s4], $0x0  }
0x19: {  	s7 =	sld [smem:$0x3F9B]  }
0x1a: {  	s8 =	sadd.s32 $0xFFFFE003, lr  }
0x1b: {  	s9 =	sadd.s32 $0xFFFFFEF7, lr;
	s5 =	simm.s32 $0xFFFFFFFF;
	p2 =	slt.u32 s8, $0xFFFFF086  }
0x1c: {  	p1 =	slt.u32 s9, $0xF7A;
	s5 =	simm.s32 @!p2 $0x0  }
0x1d: {  	s5 =	simm.s32 @p1 $0x1;
	p0 =	seq.s32 s7, s2  }
0x1e: {  	s7 =	smul.u32 @!p0 $0xF7A, s2;
	p2 =	seq.s32 @!p0 s5, $0x0  }
0x1f: {  	s9 =	smul.u32 $0xF7A, s1;
	s8 =	simm.s32 @!p0 $0x1BF5;
	p2 =	por !p2, p0  }
0x20: {  	[sflag:s8] =	ssyncset.s32 @!p0 $0xFFFFF086;
	s6 =	sadd.s32 @!p0 s3, s7;
	s7 =	simm.s32 @!p0 $0x108  }
0x21: {  	s3 =	sadd.s32 s3, s9;
	s6 =	sadd.s32 @!p0 $0x88, s6;
	s7 =	simm.s32 @p2 $0x1082  }
0x22: {  	[simem:s7], [sflag:s8] =	dma.local @!p0 [hbm:s6], $0xF7A  }
0x23: {  	s9 =	sor.u32 $0xD0000000, s2;
	s6 =	simm.s32 $0x108;
	_ =	swait.ge @!p0 [sflag:s8], $0x0  }
0x24: {  	s3 =	sadd.s32 $0x88, s3;
	s6 =	simm.s32 @!p1 $0x1082;
	[sflag:s4] =	ssyncset.s32 $0xFFFFF086  }
0x25: {  	[simem:s6], [sflag:s4] =	dma.local [hbm:s3], $0xF7A  }
0x26: {  	[smem:$0x3F9B] =	sst s1;
	(tag) =	ssettag s2;
	_ =	strace s9  }
0x27: {  	s1 =	sld [smem:$0x3FAB]  }
0x28: {  	s2 =	sld [smem:$0x3FAC]  }
0x29: {  	s4 =	sld [smem:$0x3FAE]  }
0x2a: {  	p0 =	seq.s32 s5, $0x0;
	s5 =	sld [smem:$0x3FAF]  }
0x2b: {  	s6 =	sld [smem:$0x3FB0]  }
0x2c: {  	s7 =	sld [smem:$0x3FB1]  }
0x2d: {  	s3 =	simm.s32 $0x108;
	s8 =	sld [smem:$0x3FB2]  }
0x2e: {  	s3 =	simm.s32 @!p0 $0x1082;
	s9 =	sld [smem:$0x3FB3]  }
0x2f: {  	lr =	sadd.s32 s0, s3;
	s0 =	sld [smem:$0x3FAA]  }
0x30: {  	s3 =	sld [smem:$0x3FAD]  }
0x31: {  	[smem:$0x3FB6] =	sst s10  }
0x32: {  	s10 =	sld [smem:$0x3FB4];
	_ =	sdelay $0x3  }
0x33: {  	p0 =	seq.s32 s10, $0x1;
	s10 =	sld [smem:$0x3FB6];
	_ =	sdelay $0x3  }
0x34: {  	[smem:$0x3FB6] =	sst s10  }
0x35: {  	s10 =	sld [smem:$0x3FB5];
	_ =	sdelay $0x3  }
0x36: {  	p1 =	seq.s32 s10, $0x1;
	s10 =	sld [smem:$0x3FB6];
	_ =	sdelay $0x3  }
0x37: {  	[smem:$0x3FB6] =	sst s10  }
0x38: {  	s10 =	sld [smem:$0x3FB7]  }
0x39: {  	_ = 	snop;
	(pc) =	sbr.ind lr, $3  }
0x3a: {  	_ = 	snop  }
0x3b: {  	_ = 	snop  }
0x3c: {  	p2 =	seq.s32 s10, $0x1;
	s10 =	sld [smem:$0x3FB6]  }
0x3d: {  	_ =	shalt  }
0x3e: {  	_ =	shalt  }
0x3f: {  	_ =	shalt  }
0x40: {  	_ =	shalt  }
0x41: {  	_ =	shalt  }
0x42: {  	_ =	shalt  }
0x43: {  	_ =	shalt  }
0x44: {  	_ =	shalt  }
0x45: {  	_ =	shalt  }
0x46: {  	_ =	shalt  }
0x47: {  	_ =	shalt  }
0x48: {  	_ =	shalt  }
0x49: {  	_ =	shalt  }
0x4a: {  	_ =	shalt  }
0x4b: {  	_ =	shalt  }
0x4c: {  	_ =	shalt  }
0x4d: {  	_ =	shalt  }
0x4e: {  	_ =	shalt  }
0x4f: {  	_ =	shalt  }
0x50: {  	_ =	shalt  }
0x51: {  	_ =	shalt  }
0x52: {  	_ =	shalt  }
0x53: {  	_ =	shalt  }
0x54: {  	_ =	shalt  }
0x55: {  	_ =	shalt  }
0x56: {  	_ =	shalt  }
0x57: {  	_ =	shalt  }
0x58: {  	_ =	shalt  }
0x59: {  	_ =	shalt  }
0x5a: {  	_ =	shalt  }
0x5b: {  	_ =	shalt  }
0x5c: {  	_ =	shalt  }
0x5d: {  	_ =	shalt  }
0x5e: {  	_ =	shalt  }
0x5f: {  	_ =	shalt  }
0x60: {  	_ =	shalt  }
0x61: {  	_ =	shalt  }
0x62: {  	_ =	shalt  }
0x63: {  	_ =	shalt  }
0x64: {  	_ =	shalt  }
0x65: {  	_ =	shalt  }
0x66: {  	_ =	shalt  }
0x67: {  	_ =	shalt  }
0x68: {  	_ =	shalt  }
0x69: {  	_ =	shalt  }
0x6a: {  	_ =	shalt  }
0x6b: {  	_ =	shalt  }
0x6c: {  	_ =	shalt  }
0x6d: {  	_ =	shalt  }
0x6e: {  	_ =	shalt  }
0x6f: {  	_ =	shalt  }
0x70: {  	_ =	shalt  }
0x71: {  	_ =	shalt  }
0x72: {  	_ =	shalt  }
0x73: {  	_ =	shalt  }
0x74: {  	_ =	shalt  }
0x75: {  	_ =	shalt  }
0x76: {  	_ =	shalt  }
0x77: {  	_ =	shalt  }
0x78: {  	_ =	shalt  }
0x79: {  	_ =	shalt  }
0x7a: {  	_ =	shalt  }
0x7b: {  	_ =	shalt  }
0x7c: {  	_ =	shalt  }
0x7d: {  	_ =	shalt  }
0x7e: {  	_ =	shalt  }
0x7f: {  	_ =	shalt  }
0x80: {  	_ =	shalt  }
0x81: {  	_ =	shalt  }
0x82: {  	_ =	shalt  }
0x83: {  	_ =	shalt  }
0x84: {  	_ =	shalt  }
0x85: {  	_ =	shalt  }
0x86: {  	_ =	shalt  }
0x87: {  	_ =	shalt  }
.Lfunc_end0:
.L_simem_size_0:
called_computation.1_lowered:
.L_overlay_start_0:
0x88: {  	s2 =	sld [smem:$0x3FD9]  }
0x89: {  	s3 =	sld [smem:$0x3FFE];
	_ =	sdelay $0x1  }
0x8a: {  	s1 =	srdreg.scid  }
0x8b: {  	s0 =	sand.u32 $0x1, s1  }
0x8c: {  	s16 =	sshll.u32 s0, $0xA;
	s2 =	sadd.s32 s3, s2  }
0x8d: {  	s2 =	sadd.s32 s2, s16  }
0x8e: {  	[smem:$0x3FC2] =	sst s2  }
0x8f: {  	_ = 	snop  }
0x90: {  	(tm) =	ssettm $0x1  }
0x91: {  	s17 =	sld [smem:$0x3FFB];
	_ =	sdelay $0x3  }
0x92: {  	_ =	strace s17  }
0x93: {  	s2 =	sld [smem:$0x3FFC];
	_ =	sdelay $0x3  }
0x94: {  	_ =	strace s2  }
0x95: {  	s2 =	sld [smem:$0x3FFD];
	_ =	sdelay $0x3  }
0x96: {  	_ =	strace s2  }
0x97: {  	_ =	strace $0x8FFFFFFF  }
0x98: {  	s18 =	sld [smem:$0x3FDB];
	_ =	sdelay $0x1  }
0x99: {  	s19 =	simm.s32 $_scs_section_size  }
0x9a: {  	s4 =	simm.s32 $_size__tile_overlayer_lowered;
	s5 =	simm.s32 $_tile_overlayer_lowered  }
0x9b: {  	s22 =	simm.s32 $0x1BFF;
	s21 =	sshll.u32 s5, $0x1;
	s2 =	sadd.s32 s19, s18  }
0x9c: {  	s6 =	simm.s32 $0x0;
	s20 =	sshll.u32 s4, $0x1;
	s4 =	sadd.s32 s21, s2  }
0x9d: {  	[timem:s6], [sflag:s22] =	dma.local [hbm:s4], s20  }
0x9e: {  	_ =	swait.ge [sflag:s22], s20  }
0x9f: {  	s3 =	ssub.s32 $0x0, s20;
	[sflag:s22] =	ssyncset.done $0x0  }
0xa0: {  	[sflag:s22] =	ssyncadd.s32 s3;
	_ =	sdelay $0x1  }
0xa1: {  	s23 =	simm.s32 $0x1B8B  }
0xa2: {  	_ =	swait.ge [sflag:s23], $0x1  }
0xa3: {  	[sflag:s23] =	ssyncset.done $0x0  }
0xa4: {  	s25 =	simm.s32 $0x1B8E;
	s24 =	sld [smem:$0x3FFE];
	[sflag:s23] =	ssyncadd.s32 $0xFFFFFFFF  }
0xa5: {  	s26 =	simm.s32 $execute0_lowered;
	[smem:$0x3FD2] =	sst s25  }
0xa6: {  	s4 =	sshll.u32 s26, $0x1;
	_ =	strace $0x80000049;
	[dreg:$0x1] =	wrdreg $0xFFFFFFFF  }
0xa7: {  	s28 =	simm.s32 $_size_execute0_lowered;
	s2 =	sadd.s32 s2, s4;
	[dreg:$0x0] =	wrdreg $0x0  }
0xa8: {  	s4 =	sshll.u32 s28, $0x1;
	[dreg:$0x2] =	wrdreg s2  }
0xa9: {  	[dreg:$0x3] =	wrdreg s4  }
0xaa: {  	[dreg:$0x4] =	wrdreg $0xC0  }
0xab: {  	_ =	task [dreg:s6], $0x5FFFF  }
0xac: {  	[dreg:$0x1] =	wrdreg $0xFFFFFFFF  }
0xad: {  	[dreg:$0x0] =	wrdreg $0x60  }
0xae: {  	[dreg:$0x2] =	wrdreg s24  }
0xaf: {  	[dreg:$0x3] =	wrdreg $0x0  }
0xb0: {  	[dreg:$0x4] =	wrdreg $0x28000  }
0xb1: {  	[dreg:$0x5] =	wrdreg $0x9  }
0xb2: {  	_ =	task.clear_ibuf [dreg:s6], $0x6FFFF;
	_ =	strace $0x90000049  }
0xb3: {  	s29 =	simm.s32 $0x9;
	_ =	strace $0x8000004B  }
0xb4: {  	_ =	swait.ge [sflag:s29], $0x1  }
0xb5: {  	[sflag:s29] =	ssyncadd.s32 $0xFFFFFFFF  }
0xb6: {  	_ =	strace $0x9000004B  }
0xb7: {  	_ =	sfence  }
0xb8: {  	s30 =	sld [smem:$0x0];
	_ =	sdelay $0x2  }
0xb9: {  	s31 =	sshll.u32 s1, $0xD;
	s1 =	sshrl.u32 s1, $0x2  }
0xba: {  	s3 =	sand.u32 $0x4000, s31;
	s1 =	sadd.s32 s1, s30  }
0xbb: {  	s0 =	sor.u32 s3, s0;
	s1 =	sshll.u32 s1, $0x11  }
0xbc: {  	s0 =	sor.u32 s1, s0  }
0xbd: {  	s0 =	sadd.s32 $0x8F2B, s0  }
0xbe: {  	[sflag:s0] =	ssyncadd.remote.s32 $0x1  }
0xbf: {  	_ =	sfence.sel $0xFFFF  }
0xc0: {  	[dreg:$0x0] =	wrdreg $0xFFFFFFFF;
	(pc) =	sbr.abs _section_cstart, $3  }
0xc1: {  	[dreg:$0x1] =	wrdreg $0xFFFFFFFF  }
0xc2: {  	_ =	task.clear_ibuf [dreg:s6], $0x2FFFF;
	_ =	strace $0x9FFFFFFF  }
0xc3: {  	(tm) =	ssettm $0x7FFFFFFF  }
tec
execute0_lowered:
.L_overlay_start_1:
0x0: {  	(tag) =	ssettag $0x1  }
0x1: {  	s1 =	rddreg [dreg:$0x0]  }
0x2: {  	s0 =	srdreg.scid;
	s2 =	rddreg [dreg:$0x1]  }
0x3: {  	s10 =	stileid.u32;
	s3 =	rddreg [dreg:$0x2];
	s6 =	simm.s32 $0x0  }
0x4: {  	s28 =	simm.s32 $0x7D;
	s29 =	simm.s32 $0xA000;
	s30 =	simm.s32 $0xA7D0  }
0x5: {  	s31 =	simm.s32 $0xAFA0;
	s0 =	sand.u32 $0x1, s0;
	s5 =	smul.u32 $0x2800, s10  }
0x6: {  	[smem:$0x7FF] =	sst s6;
	s9 =	smul.u32 $0xA000, s10;
	s26 =	sshll.u32 s10, $0x6  }
0x7: {  	s4 =	sshll.u32 s0, $0x4;
	s7 =	smul.u32 $0x28000, s0;
	_ =	strace $0x8000004A  }
0x8: {  	s0 =	ssub.s32 $0x2, s0;
	s4 =	sor.u32 s10, s4;
	s13 =	sshrl.u32 s5, $0x3  }
0x9: {  	s8 =	sshrl.u32 s0, $0x1;
	s15 =	sadd.s32 s5, s2;
	s19 =	sshrl.u32 s9, $0x2  }
0xa: {  	s20 =	sadd.s32 s5, s3;
	s9 =	simm.s32 $0x2;
	s10 =	simm.s32 $0x0  }
0xb: {  	s4 =	smul.u32 $0x500, s4;
	s6 =	sadd.s32 s13, s1;
	s7 =	sadd.s32 s5, s7  }
0xc: {  	s0 =	ssub.s32 s0, s8;
	s8 =	sadd.s32 s19, s3;
	s6 =	sadd.s32 $0x3D800, s6  }
0xd: {  	s5 =	simm.s32 $0xDE80;
	s0 =	smax.u32 s0, $0x1;
	[dreg:$0x6] =	wrdreg s6  }
0xe: {  	s7 =	sshrl.u32 s7, $0x3;
	s21 =	sadd.s32 $0x400, s8;
	[dreg:$0x8] =	wrdreg s0  }
0xf: {  	s22 =	sadd.s32 $0x800, s8;
	s23 =	sadd.s32 $0xC00, s8;
	[dreg:$0x9] =	wrdreg s21  }
0x10: {  	s24 =	sadd.s32 $0x1000, s8;
	s25 =	sadd.s32 $0x1400, s8;
	[dreg:$0xa] =	wrdreg s22  }
0x11: {  	s16 =	sadd.s32 $0x1800, s8;
	s17 =	sadd.s32 $0x1C00, s8;
	[dreg:$0xb] =	wrdreg s23  }
0x12: {  	s18 =	sadd.s32 $0x2000, s8;
	s19 =	sadd.s32 $0x2400, s8;
	[dreg:$0xc] =	wrdreg s24  }
0x13: {  	s4 =	sadd.s32 s4, s1;
	s1 =	sadd.s32 s7, s1;
	[dreg:$0xd] =	wrdreg s25  }
0x14: {  	s21 =	simm.s32 $0x3;
	s23 =	sor.u32 $0x1C03, s26;
	s24 =	sshrl.u32 s15, $0x3  }
0x15: {  	s25 =	sshrl.u32 s20, $0x3;
	s26 =	simm.s32 $0xEE20;
	s0 =	simm.s32 $0xBF40  }
0x16: {  	s20 =	simm.s32 $0xC710;
	s22 =	simm.s32 $0xCEE0;
	s14 =	sadd.s32 $0xB800, s4  }
0x17: {  	s6 =	simm.s32 $0xE650;
	s4 =	sadd.s32 $0x1800, s4;
	[dreg:$0x4] =	wrdreg s14  }
0x18: {  	s7 =	simm.s32 $0x1;
	s1 =	sadd.s32 $0x42800, s1;
	[dreg:$0x5] =	wrdreg s4  }
0x19: {  	v0 =	vimm.f32 $0.0e+00;
	[dreg:$0x7] =	wrdreg s1;
	s1 =	simm.s32 $0xB770;
	s4 =	simm.s32 $0xD6B0  }
.LBB2_1:
0x1a: {  	s11 =	simm.s32 $0x0;
	s12 =	rddreg [dreg:$0x4];
	s13 =	simm.s32 $0x5000  }
0x1b: {  	[tilespmem:s13], [sflag:$0x3] =	stream.linear.gather [hbm4b:s12+s11], $0x2800, $0x38;
	[tilespmem:$0xF220] =	vst v63  }
0x1c: {  	_ =	swait.ge [sflag:s21], $0x2800  }
0x1d: {  	[sflag:s21] =	ssyncset.done $0x0  }
0x1e: {  	s14 =	simm.s32 $0x7800;
	s13 =	rddreg [dreg:$0x5];
	[sflag:s21] =	ssyncadd.s32 $0xFFFFD800  }
0x1f: {  	[tilespmem:s14], [sflag:$0x3] =	stream.linear.gather [hbm4b:s13+s11], $0x2800, $0x38;
	[tilespmem:$0xF220] =	vst v63  }
0x20: {  	_ =	swait.ge [sflag:s21], $0x2800  }
0x21: {  	[sflag:s21] =	ssyncset.done $0x0  }
0x22: {  	s15 =	rddreg [dreg:$0x6];
	[sflag:s21] =	ssyncadd.s32 $0xFFFFD800  }
0x23: {  	[spmem:s24], [sflag:s23] =	dma.local [hbm:s15], $0x500  }
0x24: {  	_ =	swait.ge [sflag:s21], $0x500  }
0x25: {  	[sflag:s21] =	ssyncset.done $0x0  }
0x26: {  	s12 =	simm.s32 $0x0;
	s11 =	simm.s32 $0x40;
	[sflag:s21] =	ssyncadd.s32 $0xFFFFFB00  }
.LBB2_2:
0x27: {  	p0 =	sne.s32 s11, $0xFC0;
	[tilespmem:s12+$0xEE20] =	vst v0;
	s12 =	smov.u32 s11;
	s11 =	sadd.s32 $0x40, s11  }
.Ltmp0:
0x28: {  	(pc) =	sbr.rel @p0 .LBB2_2-.Ltmp0, $2  }
0x29: {  	_ =	sdelay $0x2  }
0x2a: {  	s12 =	sshra.s32 s12, $0x2  }
0x2b: {  	[tilespmem:s12+$0xEE20] =	vst v0  }
0x2c: {  	[spmem:s8] =	stream.linear.scatter [tilespmem:s26], [sflag:$0x3], $0x400, $0x38;
	[tilespmem:$0xF220] =	vst v63  }
0x2d: {  	_ =	swait.ge [sflag:s21], $0x400  }
0x2e: {  	[sflag:s21] =	ssyncset.done $0x0  }
0x2f: {  	s11 =	rddreg [dreg:$0x9];
	[sflag:s21] =	ssyncadd.s32 $0xFFFFFC00  }
0x30: {  	[spmem:s11] =	stream.linear.scatter [tilespmem:s26], [sflag:$0x3], $0x400, $0x38;
	[tilespmem:$0xF220] =	vst v63  }
0x31: {  	_ =	swait.ge [sflag:s21], $0x400  }
0x32: {  	[sflag:s21] =	ssyncset.done $0x0  }
0x33: {  	s12 =	rddreg [dreg:$0xa];
	[sflag:s21] =	ssyncadd.s32 $0xFFFFFC00  }
0x34: {  	[spmem:s12] =	stream.linear.scatter [tilespmem:s26], [sflag:$0x3], $0x400, $0x38;
	[tilespmem:$0xF220] =	vst v63  }
0x35: {  	_ =	swait.ge [sflag:s21], $0x400  }
0x36: {  	[sflag:s21] =	ssyncset.done $0x0  }
0x37: {  	s13 =	rddreg [dreg:$0xb];
	[sflag:s21] =	ssyncadd.s32 $0xFFFFFC00  }
0x38: {  	[spmem:s13] =	stream.linear.scatter [tilespmem:s26], [sflag:$0x3], $0x400, $0x38;
	[tilespmem:$0xF220] =	vst v63  }
0x39: {  	_ =	swait.ge [sflag:s21], $0x400  }
0x3a: {  	[sflag:s21] =	ssyncset.done $0x0  }
0x3b: {  	s14 =	rddreg [dreg:$0xc];
	[sflag:s21] =	ssyncadd.s32 $0xFFFFFC00  }
0x3c: {  	[spmem:s14] =	stream.linear.scatter [tilespmem:s26], [sflag:$0x3], $0x400, $0x38;
	[tilespmem:$0xF220] =	vst v63  }
0x3d: {  	_ =	swait.ge [sflag:s21], $0x400  }
0x3e: {  	[sflag:s21] =	ssyncset.done $0x0  }
0x3f: {  	s15 =	rddreg [dreg:$0xd];
	[sflag:s21] =	ssyncadd.s32 $0xFFFFFC00  }
0x40: {  	[spmem:s15] =	stream.linear.scatter [tilespmem:s26], [sflag:$0x3], $0x400, $0x38;
	[tilespmem:$0xF220] =	vst v63  }
0x41: {  	_ =	swait.ge [sflag:s21], $0x400  }
0x42: {  	[sflag:s21] =	ssyncset.done $0x0  }
0x43: {  	[sflag:s21] =	ssyncadd.s32 $0xFFFFFC00  }
0x44: {  	[spmem:s16] =	stream.linear.scatter [tilespmem:s26], [sflag:$0x3], $0x400, $0x38;
	[tilespmem:$0xF220] =	vst v63  }
0x45: {  	_ =	swait.ge [sflag:s21], $0x400  }
0x46: {  	[sflag:s21] =	ssyncset.done $0x0  }
0x47: {  	[sflag:s21] =	ssyncadd.s32 $0xFFFFFC00  }
0x48: {  	[spmem:s17] =	stream.linear.scatter [tilespmem:s26], [sflag:$0x3], $0x400, $0x38;
	[tilespmem:$0xF220] =	vst v63  }
0x49: {  	_ =	swait.ge [sflag:s21], $0x400  }
0x4a: {  	[sflag:s21] =	ssyncset.done $0x0  }
0x4b: {  	[sflag:s21] =	ssyncadd.s32 $0xFFFFFC00  }
0x4c: {  	[spmem:s18] =	stream.linear.scatter [tilespmem:s26], [sflag:$0x3], $0x400, $0x38;
	[tilespmem:$0xF220] =	vst v63  }
0x4d: {  	_ =	swait.ge [sflag:s21], $0x400  }
0x4e: {  	[sflag:s21] =	ssyncset.done $0x0  }
0x4f: {  	[sflag:s21] =	ssyncadd.s32 $0xFFFFFC00  }
0x50: {  	[spmem:s19] =	stream.linear.scatter [tilespmem:s26], [sflag:$0x3], $0x400, $0x38;
	[tilespmem:$0xF220] =	vst v63  }
0x51: {  	_ =	swait.ge [sflag:s21], $0x400  }
0x52: {  	[sflag:s21] =	ssyncset.done $0x0  }
0x53: {  	[sflag:s21] =	ssyncadd.s32 $0xFFFFFC00  }
0x54: {  	s12 =	simm.s32 $0x5000;
	[bflag:$0x0] =	sbarrier.arrive $0xFFFF  }
0x55: {  	[tilespmem:s29], [sflag:$0x1] =	stream.indirect.gather [spmem:s2], $0x10, s12, s28, $0xb8;
	[tilespmem:$0xF220] =	vst v63  }
0x56: {  	s13 =	simm.s32 $0x5080  }
0x57: {  	[tilespmem:s30], [sflag:$0x1] =	stream.indirect.gather [spmem:s2], $0x10, s13, s28, $0xb8;
	[tilespmem:$0xF220] =	vst v63  }
0x58: {  	s14 =	simm.s32 $0x5100  }
0x59: {  	[tilespmem:s31], [sflag:$0x1] =	stream.indirect.gather [spmem:s2], $0x10, s14, s28, $0xb8;
	[tilespmem:$0xF220] =	vst v63  }
0x5a: {  	s15 =	simm.s32 $0x5180  }
0x5b: {  	[tilespmem:s1], [sflag:$0x1] =	stream.indirect.gather [spmem:s2], $0x10, s15, s28, $0xb8;
	[tilespmem:$0xF220] =	vst v63  }
0x5c: {  	s12 =	simm.s32 $0x5200  }
0x5d: {  	[tilespmem:s0], [sflag:$0x1] =	stream.indirect.gather [spmem:s2], $0x10, s12, s28, $0xb8;
	[tilespmem:$0xF220] =	vst v63  }
0x5e: {  	s13 =	simm.s32 $0x5280  }
0x5f: {  	[tilespmem:s20], [sflag:$0x1] =	stream.indirect.gather [spmem:s2], $0x10, s13, s28, $0xb8;
	[tilespmem:$0xF220] =	vst v63  }
0x60: {  	s14 =	simm.s32 $0x5300  }
0x61: {  	[tilespmem:s22], [sflag:$0x1] =	stream.indirect.gather [spmem:s2], $0x10, s14, s28, $0xb8;
	[tilespmem:$0xF220] =	vst v63  }
0x62: {  	s15 =	simm.s32 $0x5380  }
0x63: {  	[tilespmem:s4], [sflag:$0x1] =	stream.indirect.gather [spmem:s2], $0x10, s15, s28, $0xb8;
	[tilespmem:$0xF220] =	vst v63  }
0x64: {  	s12 =	simm.s32 $0x5400  }
0x65: {  	[tilespmem:s5], [sflag:$0x1] =	stream.indirect.gather [spmem:s2], $0x10, s12, s28, $0xb8;
	[tilespmem:$0xF220] =	vst v63  }
0x66: {  	s13 =	simm.s32 $0x5480  }
0x67: {  	[tilespmem:s6], [sflag:$0x1] =	stream.indirect.gather [spmem:s2], $0x10, s13, s28, $0xb8;
	[tilespmem:$0xF220] =	vst v63  }
0x68: {  	_ =	swait.ge [sflag:s7], $0x7D0  }
0x69: {  	[sflag:s7] =	ssyncset.done $0x0  }
0x6a: {  	s14 =	simm.s32 $0x7800;
	[sflag:s7] =	ssyncadd.s32 $0xFFFFF830  }
0x6b: {  	[spmem:s3] =	stream.indirect.scatter.add.f32 [tilespmem:s29], [sflag:$0x2], $0x10, s14, s28, $0xb8;
	[tilespmem:$0xF220] =	vst v63  }
0x6c: {  	_ =	swait.ge [sflag:s7], $0x7D0  }
0x6d: {  	[sflag:s7] =	ssyncset.done $0x0  }
0x6e: {  	s15 =	simm.s32 $0x7880;
	[sflag:s7] =	ssyncadd.s32 $0xFFFFF830  }
0x6f: {  	[spmem:s3] =	stream.indirect.scatter.add.f32 [tilespmem:s30], [sflag:$0x2], $0x10, s15, s28, $0xb8;
	[tilespmem:$0xF220] =	vst v63  }
0x70: {  	_ =	swait.ge [sflag:s7], $0x7D0  }
0x71: {  	[sflag:s7] =	ssyncset.done $0x0  }
0x72: {  	s12 =	simm.s32 $0x7900;
	[sflag:s7] =	ssyncadd.s32 $0xFFFFF830  }
0x73: {  	[spmem:s3] =	stream.indirect.scatter.add.f32 [tilespmem:s31], [sflag:$0x2], $0x10, s12, s28, $0xb8;
	[tilespmem:$0xF220] =	vst v63  }
0x74: {  	_ =	swait.ge [sflag:s7], $0x7D0  }
0x75: {  	[sflag:s7] =	ssyncset.done $0x0  }
0x76: {  	s13 =	simm.s32 $0x7980;
	[sflag:s7] =	ssyncadd.s32 $0xFFFFF830  }
0x77: {  	[spmem:s3] =	stream.indirect.scatter.add.f32 [tilespmem:s1], [sflag:$0x2], $0x10, s13, s28, $0xb8;
	[tilespmem:$0xF220] =	vst v63  }
0x78: {  	_ =	swait.ge [sflag:s7], $0x7D0  }
0x79: {  	[sflag:s7] =	ssyncset.done $0x0  }
0x7a: {  	s14 =	simm.s32 $0x7A00;
	[sflag:s7] =	ssyncadd.s32 $0xFFFFF830  }
0x7b: {  	[spmem:s3] =	stream.indirect.scatter.add.f32 [tilespmem:s0], [sflag:$0x2], $0x10, s14, s28, $0xb8;
	[tilespmem:$0xF220] =	vst v63  }
0x7c: {  	_ =	swait.ge [sflag:s7], $0x7D0  }
0x7d: {  	[sflag:s7] =	ssyncset.done $0x0  }
0x7e: {  	s15 =	simm.s32 $0x7A80;
	[sflag:s7] =	ssyncadd.s32 $0xFFFFF830  }
0x7f: {  	[spmem:s3] =	stream.indirect.scatter.add.f32 [tilespmem:s20], [sflag:$0x2], $0x10, s15, s28, $0xb8;
	[tilespmem:$0xF220] =	vst v63  }
0x80: {  	_ =	swait.ge [sflag:s7], $0x7D0  }
0x81: {  	[sflag:s7] =	ssyncset.done $0x0  }
0x82: {  	s12 =	simm.s32 $0x7B00;
	[sflag:s7] =	ssyncadd.s32 $0xFFFFF830  }
0x83: {  	[spmem:s3] =	stream.indirect.scatter.add.f32 [tilespmem:s22], [sflag:$0x2], $0x10, s12, s28, $0xb8;
	[tilespmem:$0xF220] =	vst v63  }
0x84: {  	_ =	swait.ge [sflag:s7], $0x7D0  }
0x85: {  	[sflag:s7] =	ssyncset.done $0x0  }
0x86: {  	s13 =	simm.s32 $0x7B80;
	[sflag:s7] =	ssyncadd.s32 $0xFFFFF830  }
0x87: {  	[spmem:s3] =	stream.indirect.scatter.add.f32 [tilespmem:s4], [sflag:$0x2], $0x10, s13, s28, $0xb8;
	[tilespmem:$0xF220] =	vst v63  }
0x88: {  	_ =	swait.ge [sflag:s7], $0x7D0  }
0x89: {  	[sflag:s7] =	ssyncset.done $0x0  }
0x8a: {  	s14 =	simm.s32 $0x7C00;
	[sflag:s7] =	ssyncadd.s32 $0xFFFFF830  }
0x8b: {  	[spmem:s3] =	stream.indirect.scatter.add.f32 [tilespmem:s5], [sflag:$0x2], $0x10, s14, s28, $0xb8;
	[tilespmem:$0xF220] =	vst v63  }
0x8c: {  	_ =	swait.ge [sflag:s7], $0x7D0  }
0x8d: {  	[sflag:s7] =	ssyncset.done $0x0  }
0x8e: {  	s15 =	simm.s32 $0x7C80;
	[sflag:s7] =	ssyncadd.s32 $0xFFFFF830  }
0x8f: {  	[spmem:s3] =	stream.indirect.scatter.add.f32 [tilespmem:s6], [sflag:$0x2], $0x10, s15, s28, $0xb8;
	[tilespmem:$0xF220] =	vst v63  }
0x90: {  	_ =	swait.ge [sflag:s9], $0x7D0  }
0x91: {  	[sflag:s9] =	ssyncset.done $0x0  }
0x92: {  	[sflag:s9] =	ssyncadd.s32 $0xFFFFF830  }
0x93: {  	_ =	swait.ge [sflag:s9], $0x7D0  }
0x94: {  	[sflag:s9] =	ssyncset.done $0x0  }
0x95: {  	[sflag:s9] =	ssyncadd.s32 $0xFFFFF830  }
0x96: {  	_ =	swait.ge [sflag:s9], $0x7D0  }
0x97: {  	[sflag:s9] =	ssyncset.done $0x0  }
0x98: {  	[sflag:s9] =	ssyncadd.s32 $0xFFFFF830  }
0x99: {  	_ =	swait.ge [sflag:s9], $0x7D0  }
0x9a: {  	[sflag:s9] =	ssyncset.done $0x0  }
0x9b: {  	[sflag:s9] =	ssyncadd.s32 $0xFFFFF830  }
0x9c: {  	_ =	swait.ge [sflag:s9], $0x7D0  }
0x9d: {  	[sflag:s9] =	ssyncset.done $0x0  }
0x9e: {  	[sflag:s9] =	ssyncadd.s32 $0xFFFFF830  }
0x9f: {  	_ =	swait.ge [sflag:s9], $0x7D0  }
0xa0: {  	[sflag:s9] =	ssyncset.done $0x0  }
0xa1: {  	[sflag:s9] =	ssyncadd.s32 $0xFFFFF830  }
0xa2: {  	_ =	swait.ge [sflag:s9], $0x7D0  }
0xa3: {  	[sflag:s9] =	ssyncset.done $0x0  }
0xa4: {  	[sflag:s9] =	ssyncadd.s32 $0xFFFFF830  }
0xa5: {  	_ =	swait.ge [sflag:s9], $0x7D0  }
0xa6: {  	[sflag:s9] =	ssyncset.done $0x0  }
0xa7: {  	[sflag:s9] =	ssyncadd.s32 $0xFFFFF830  }
0xa8: {  	_ =	swait.ge [sflag:s9], $0x7D0  }
0xa9: {  	[sflag:s9] =	ssyncset.done $0x0  }
0xaa: {  	[sflag:s9] =	ssyncadd.s32 $0xFFFFF830  }
0xab: {  	_ =	swait.ge [sflag:s9], $0x7D0  }
0xac: {  	s11 =	simm.s32 $0x500;
	s12 =	simm.s32 $0x2800;
	[sflag:s9] =	ssyncset.done $0x0  }
.LBB2_4:
0xad: {  	s15 =	sadd.s32 $0x5000, s11  }
0xae: {  	[sflag:s9] =	ssyncadd.s32 $0xFFFFF830;
	s13 =	smov.u32 s12;
	s14 =	sadd.s32 $0x1400, s12  }
0xaf: {  	[tilespmem:s29], [sflag:$0x1] =	stream.indirect.gather [spmem:s2], $0x10, s15, s28, $0xb8;
	[tilespmem:$0xF220] =	vst v63  }
0xb0: {  	p0 =	sne.s32 s12, $0x8C00;
	s12 =	sadd.s32 $0x5080, s11  }
0xb1: {  	[tilespmem:s30], [sflag:$0x1] =	stream.indirect.gather [spmem:s2], $0x10, s12, s28, $0xb8;
	[tilespmem:$0xF220] =	vst v63  }
0xb2: {  	s12 =	sadd.s32 $0x5100, s11  }
0xb3: {  	[tilespmem:s31], [sflag:$0x1] =	stream.indirect.gather [spmem:s2], $0x10, s12, s28, $0xb8;
	[tilespmem:$0xF220] =	vst v63  }
0xb4: {  	s12 =	sadd.s32 $0x5180, s11  }
0xb5: {  	[tilespmem:s1], [sflag:$0x1] =	stream.indirect.gather [spmem:s2], $0x10, s12, s28, $0xb8;
	[tilespmem:$0xF220] =	vst v63  }
0xb6: {  	s12 =	sadd.s32 $0x5200, s11  }
0xb7: {  	[tilespmem:s0], [sflag:$0x1] =	stream.indirect.gather [spmem:s2], $0x10, s12, s28, $0xb8;
	[tilespmem:$0xF220] =	vst v63  }
0xb8: {  	s12 =	sadd.s32 $0x5280, s11  }
0xb9: {  	[tilespmem:s20], [sflag:$0x1] =	stream.indirect.gather [spmem:s2], $0x10, s12, s28, $0xb8;
	[tilespmem:$0xF220] =	vst v63  }
0xba: {  	s12 =	sadd.s32 $0x5300, s11  }
0xbb: {  	[tilespmem:s22], [sflag:$0x1] =	stream.indirect.gather [spmem:s2], $0x10, s12, s28, $0xb8;
	[tilespmem:$0xF220] =	vst v63  }
0xbc: {  	s12 =	sadd.s32 $0x5380, s11  }
0xbd: {  	[tilespmem:s4], [sflag:$0x1] =	stream.indirect.gather [spmem:s2], $0x10, s12, s28, $0xb8;
	[tilespmem:$0xF220] =	vst v63  }
0xbe: {  	s12 =	sadd.s32 $0x5400, s11  }
0xbf: {  	[tilespmem:s5], [sflag:$0x1] =	stream.indirect.gather [spmem:s2], $0x10, s12, s28, $0xb8;
	[tilespmem:$0xF220] =	vst v63  }
0xc0: {  	s12 =	sadd.s32 $0x5480, s11  }
0xc1: {  	[tilespmem:s6], [sflag:$0x1] =	stream.indirect.gather [spmem:s2], $0x10, s12, s28, $0xb8;
	[tilespmem:$0xF220] =	vst v63  }
0xc2: {  	_ =	swait.ge [sflag:s7], $0x7D0  }
0xc3: {  	[sflag:s7] =	ssyncset.done $0x0  }
0xc4: {  	s12 =	sadd.s32 $0x7800, s11;
	[sflag:s7] =	ssyncadd.s32 $0xFFFFF830  }
0xc5: {  	[spmem:s3] =	stream.indirect.scatter.add.f32 [tilespmem:s29], [sflag:$0x2], $0x10, s12, s28, $0xb8;
	[tilespmem:$0xF220] =	vst v63  }
0xc6: {  	_ =	swait.ge [sflag:s7], $0x7D0  }
0xc7: {  	[sflag:s7] =	ssyncset.done $0x0  }
0xc8: {  	s12 =	sadd.s32 $0x7880, s11;
	[sflag:s7] =	ssyncadd.s32 $0xFFFFF830  }
0xc9: {  	[spmem:s3] =	stream.indirect.scatter.add.f32 [tilespmem:s30], [sflag:$0x2], $0x10, s12, s28, $0xb8;
	[tilespmem:$0xF220] =	vst v63  }
0xca: {  	_ =	swait.ge [sflag:s7], $0x7D0  }
0xcb: {  	[sflag:s7] =	ssyncset.done $0x0  }
0xcc: {  	s12 =	sadd.s32 $0x7900, s11;
	[sflag:s7] =	ssyncadd.s32 $0xFFFFF830  }
0xcd: {  	[spmem:s3] =	stream.indirect.scatter.add.f32 [tilespmem:s31], [sflag:$0x2], $0x10, s12, s28, $0xb8;
	[tilespmem:$0xF220] =	vst v63  }
0xce: {  	_ =	swait.ge [sflag:s7], $0x7D0  }
0xcf: {  	[sflag:s7] =	ssyncset.done $0x0  }
0xd0: {  	s12 =	sadd.s32 $0x7980, s11;
	[sflag:s7] =	ssyncadd.s32 $0xFFFFF830  }
0xd1: {  	[spmem:s3] =	stream.indirect.scatter.add.f32 [tilespmem:s1], [sflag:$0x2], $0x10, s12, s28, $0xb8;
	[tilespmem:$0xF220] =	vst v63  }
0xd2: {  	_ =	swait.ge [sflag:s7], $0x7D0  }
0xd3: {  	[sflag:s7] =	ssyncset.done $0x0  }
0xd4: {  	s12 =	sadd.s32 $0x7A00, s11;
	[sflag:s7] =	ssyncadd.s32 $0xFFFFF830  }
0xd5: {  	[spmem:s3] =	stream.indirect.scatter.add.f32 [tilespmem:s0], [sflag:$0x2], $0x10, s12, s28, $0xb8;
	[tilespmem:$0xF220] =	vst v63  }
0xd6: {  	_ =	swait.ge [sflag:s7], $0x7D0  }
0xd7: {  	[sflag:s7] =	ssyncset.done $0x0  }
0xd8: {  	s12 =	sadd.s32 $0x7A80, s11;
	[sflag:s7] =	ssyncadd.s32 $0xFFFFF830  }
0xd9: {  	[spmem:s3] =	stream.indirect.scatter.add.f32 [tilespmem:s20], [sflag:$0x2], $0x10, s12, s28, $0xb8;
	[tilespmem:$0xF220] =	vst v63  }
0xda: {  	_ =	swait.ge [sflag:s7], $0x7D0  }
0xdb: {  	[sflag:s7] =	ssyncset.done $0x0  }
0xdc: {  	s12 =	sadd.s32 $0x7B00, s11;
	[sflag:s7] =	ssyncadd.s32 $0xFFFFF830  }
0xdd: {  	[spmem:s3] =	stream.indirect.scatter.add.f32 [tilespmem:s22], [sflag:$0x2], $0x10, s12, s28, $0xb8;
	[tilespmem:$0xF220] =	vst v63  }
0xde: {  	_ =	swait.ge [sflag:s7], $0x7D0  }
0xdf: {  	[sflag:s7] =	ssyncset.done $0x0  }
0xe0: {  	s12 =	sadd.s32 $0x7B80, s11;
	[sflag:s7] =	ssyncadd.s32 $0xFFFFF830  }
0xe1: {  	[spmem:s3] =	stream.indirect.scatter.add.f32 [tilespmem:s4], [sflag:$0x2], $0x10, s12, s28, $0xb8;
	[tilespmem:$0xF220] =	vst v63  }
0xe2: {  	_ =	swait.ge [sflag:s7], $0x7D0  }
0xe3: {  	[sflag:s7] =	ssyncset.done $0x0  }
0xe4: {  	s12 =	sadd.s32 $0x7C00, s11;
	[sflag:s7] =	ssyncadd.s32 $0xFFFFF830  }
0xe5: {  	[spmem:s3] =	stream.indirect.scatter.add.f32 [tilespmem:s5], [sflag:$0x2], $0x10, s12, s28, $0xb8;
	[tilespmem:$0xF220] =	vst v63  }
0xe6: {  	_ =	swait.ge [sflag:s7], $0x7D0  }
0xe7: {  	[sflag:s7] =	ssyncset.done $0x0  }
0xe8: {  	s11 =	sadd.s32 $0x7C80, s11;
	[sflag:s7] =	ssyncadd.s32 $0xFFFFF830  }
0xe9: {  	[spmem:s3] =	stream.indirect.scatter.add.f32 [tilespmem:s6], [sflag:$0x2], $0x10, s11, s28, $0xb8;
	[tilespmem:$0xF220] =	vst v63  }
0xea: {  	_ =	swait.ge [sflag:s9], $0x7D0  }
0xeb: {  	[sflag:s9] =	ssyncset.done $0x0  }
0xec: {  	[sflag:s9] =	ssyncadd.s32 $0xFFFFF830  }
0xed: {  	_ =	swait.ge [sflag:s9], $0x7D0  }
0xee: {  	[sflag:s9] =	ssyncset.done $0x0  }
0xef: {  	[sflag:s9] =	ssyncadd.s32 $0xFFFFF830  }
0xf0: {  	_ =	swait.ge [sflag:s9], $0x7D0  }
0xf1: {  	[sflag:s9] =	ssyncset.done $0x0  }
0xf2: {  	[sflag:s9] =	ssyncadd.s32 $0xFFFFF830  }
0xf3: {  	_ =	swait.ge [sflag:s9], $0x7D0  }
0xf4: {  	[sflag:s9] =	ssyncset.done $0x0  }
0xf5: {  	[sflag:s9] =	ssyncadd.s32 $0xFFFFF830  }
0xf6: {  	_ =	swait.ge [sflag:s9], $0x7D0  }
0xf7: {  	[sflag:s9] =	ssyncset.done $0x0  }
0xf8: {  	[sflag:s9] =	ssyncadd.s32 $0xFFFFF830  }
0xf9: {  	_ =	swait.ge [sflag:s9], $0x7D0  }
0xfa: {  	[sflag:s9] =	ssyncset.done $0x0  }
0xfb: {  	[sflag:s9] =	ssyncadd.s32 $0xFFFFF830  }
0xfc: {  	_ =	swait.ge [sflag:s9], $0x7D0  }
0xfd: {  	[sflag:s9] =	ssyncset.done $0x0  }
0xfe: {  	[sflag:s9] =	ssyncadd.s32 $0xFFFFF830  }
0xff: {  	_ =	swait.ge [sflag:s9], $0x7D0  }
0x100: {  	[sflag:s9] =	ssyncset.done $0x0  }
0x101: {  	[sflag:s9] =	ssyncadd.s32 $0xFFFFF830  }
.Ltmp1:
0x102: {  	_ =	swait.ge [sflag:s9], $0x7D0;
	(pc) =	sbr.rel @p0 .LBB2_4-.Ltmp1, $4  }
0x103: {  	[sflag:s9] =	ssyncset.done $0x0  }
0x104: {  	[sflag:s9] =	ssyncadd.s32 $0xFFFFF830  }
0x105: {  	_ =	swait.ge [sflag:s9], $0x7D0  }
0x106: {  	s12 =	smov.u32 s14;
	s11 =	sshra.s32 s13, $0x2;
	[sflag:s9] =	ssyncset.done $0x0  }
0x107: {  	s12 =	sadd.s32 $0x5000, s11;
	[sflag:s9] =	ssyncadd.s32 $0xFFFFF830  }
0x108: {  	[tilespmem:s29], [sflag:$0x1] =	stream.indirect.gather [spmem:s2], $0x10, s12, s28, $0xb8;
	[tilespmem:$0xF220] =	vst v63  }
0x109: {  	s13 =	sadd.s32 $0x5080, s11  }
0x10a: {  	[tilespmem:s30], [sflag:$0x1] =	stream.indirect.gather [spmem:s2], $0x10, s13, s28, $0xb8;
	[tilespmem:$0xF220] =	vst v63  }
0x10b: {  	s14 =	sadd.s32 $0x5100, s11  }
0x10c: {  	[tilespmem:s31], [sflag:$0x1] =	stream.indirect.gather [spmem:s2], $0x10, s14, s28, $0xb8;
	[tilespmem:$0xF220] =	vst v63  }
0x10d: {  	s15 =	sadd.s32 $0x5180, s11  }
0x10e: {  	[tilespmem:s1], [sflag:$0x1] =	stream.indirect.gather [spmem:s2], $0x10, s15, s28, $0xb8;
	[tilespmem:$0xF220] =	vst v63  }
0x10f: {  	s13 =	sadd.s32 $0x5200, s11  }
0x110: {  	[tilespmem:s0], [sflag:$0x1] =	stream.indirect.gather [spmem:s2], $0x10, s13, s28, $0xb8;
	[tilespmem:$0xF220] =	vst v63  }
0x111: {  	s14 =	sadd.s32 $0x5280, s11  }
0x112: {  	[tilespmem:s20], [sflag:$0x1] =	stream.indirect.gather [spmem:s2], $0x10, s14, s28, $0xb8;
	[tilespmem:$0xF220] =	vst v63  }
0x113: {  	s15 =	sadd.s32 $0x5300, s11  }
0x114: {  	[tilespmem:s22], [sflag:$0x1] =	stream.indirect.gather [spmem:s2], $0x10, s15, s28, $0xb8;
	[tilespmem:$0xF220] =	vst v63  }
0x115: {  	s13 =	sadd.s32 $0x5380, s11  }
0x116: {  	[tilespmem:s4], [sflag:$0x1] =	stream.indirect.gather [spmem:s2], $0x10, s13, s28, $0xb8;
	[tilespmem:$0xF220] =	vst v63  }
0x117: {  	s14 =	sadd.s32 $0x5400, s11  }
0x118: {  	[tilespmem:s5], [sflag:$0x1] =	stream.indirect.gather [spmem:s2], $0x10, s14, s28, $0xb8;
	[tilespmem:$0xF220] =	vst v63  }
0x119: {  	s15 =	sadd.s32 $0x5480, s11  }
0x11a: {  	[tilespmem:s6], [sflag:$0x1] =	stream.indirect.gather [spmem:s2], $0x10, s15, s28, $0xb8;
	[tilespmem:$0xF220] =	vst v63  }
0x11b: {  	_ =	swait.ge [sflag:s7], $0x7D0  }
0x11c: {  	[sflag:s7] =	ssyncset.done $0x0  }
0x11d: {  	s13 =	sadd.s32 $0x7800, s11;
	[sflag:s7] =	ssyncadd.s32 $0xFFFFF830  }
0x11e: {  	[spmem:s3] =	stream.indirect.scatter.add.f32 [tilespmem:s29], [sflag:$0x2], $0x10, s13, s28, $0xb8;
	[tilespmem:$0xF220] =	vst v63  }
0x11f: {  	_ =	swait.ge [sflag:s7], $0x7D0  }
0x120: {  	[sflag:s7] =	ssyncset.done $0x0  }
0x121: {  	s14 =	sadd.s32 $0x7880, s11;
	[sflag:s7] =	ssyncadd.s32 $0xFFFFF830  }
0x122: {  	[spmem:s3] =	stream.indirect.scatter.add.f32 [tilespmem:s30], [sflag:$0x2], $0x10, s14, s28, $0xb8;
	[tilespmem:$0xF220] =	vst v63  }
0x123: {  	_ =	swait.ge [sflag:s7], $0x7D0  }
0x124: {  	[sflag:s7] =	ssyncset.done $0x0  }
0x125: {  	s15 =	sadd.s32 $0x7900, s11;
	[sflag:s7] =	ssyncadd.s32 $0xFFFFF830  }
0x126: {  	[spmem:s3] =	stream.indirect.scatter.add.f32 [tilespmem:s31], [sflag:$0x2], $0x10, s15, s28, $0xb8;
	[tilespmem:$0xF220] =	vst v63  }
0x127: {  	_ =	swait.ge [sflag:s7], $0x7D0  }
0x128: {  	[sflag:s7] =	ssyncset.done $0x0  }
0x129: {  	s13 =	sadd.s32 $0x7980, s11;
	[sflag:s7] =	ssyncadd.s32 $0xFFFFF830  }
0x12a: {  	[spmem:s3] =	stream.indirect.scatter.add.f32 [tilespmem:s1], [sflag:$0x2], $0x10, s13, s28, $0xb8;
	[tilespmem:$0xF220] =	vst v63  }
0x12b: {  	_ =	swait.ge [sflag:s7], $0x7D0  }
0x12c: {  	[sflag:s7] =	ssyncset.done $0x0  }
0x12d: {  	s14 =	sadd.s32 $0x7A00, s11;
	[sflag:s7] =	ssyncadd.s32 $0xFFFFF830  }
0x12e: {  	[spmem:s3] =	stream.indirect.scatter.add.f32 [tilespmem:s0], [sflag:$0x2], $0x10, s14, s28, $0xb8;
	[tilespmem:$0xF220] =	vst v63  }
0x12f: {  	_ =	swait.ge [sflag:s7], $0x7D0  }
0x130: {  	[sflag:s7] =	ssyncset.done $0x0  }
0x131: {  	s15 =	sadd.s32 $0x7A80, s11;
	[sflag:s7] =	ssyncadd.s32 $0xFFFFF830  }
0x132: {  	[spmem:s3] =	stream.indirect.scatter.add.f32 [tilespmem:s20], [sflag:$0x2], $0x10, s15, s28, $0xb8;
	[tilespmem:$0xF220] =	vst v63  }
0x133: {  	_ =	swait.ge [sflag:s7], $0x7D0  }
0x134: {  	[sflag:s7] =	ssyncset.done $0x0  }
0x135: {  	s13 =	sadd.s32 $0x7B00, s11;
	[sflag:s7] =	ssyncadd.s32 $0xFFFFF830  }
0x136: {  	[spmem:s3] =	stream.indirect.scatter.add.f32 [tilespmem:s22], [sflag:$0x2], $0x10, s13, s28, $0xb8;
	[tilespmem:$0xF220] =	vst v63  }
0x137: {  	_ =	swait.ge [sflag:s7], $0x7D0  }
0x138: {  	[sflag:s7] =	ssyncset.done $0x0  }
0x139: {  	s14 =	sadd.s32 $0x7B80, s11;
	[sflag:s7] =	ssyncadd.s32 $0xFFFFF830  }
0x13a: {  	[spmem:s3] =	stream.indirect.scatter.add.f32 [tilespmem:s4], [sflag:$0x2], $0x10, s14, s28, $0xb8;
	[tilespmem:$0xF220] =	vst v63  }
0x13b: {  	_ =	swait.ge [sflag:s7], $0x7D0  }
0x13c: {  	[sflag:s7] =	ssyncset.done $0x0  }
0x13d: {  	s15 =	sadd.s32 $0x7C00, s11;
	[sflag:s7] =	ssyncadd.s32 $0xFFFFF830  }
0x13e: {  	[spmem:s3] =	stream.indirect.scatter.add.f32 [tilespmem:s5], [sflag:$0x2], $0x10, s15, s28, $0xb8;
	[tilespmem:$0xF220] =	vst v63  }
0x13f: {  	_ =	swait.ge [sflag:s7], $0x7D0  }
0x140: {  	[sflag:s7] =	ssyncset.done $0x0  }
0x141: {  	s13 =	sadd.s32 $0x7C80, s11;
	[sflag:s7] =	ssyncadd.s32 $0xFFFFF830  }
0x142: {  	[spmem:s3] =	stream.indirect.scatter.add.f32 [tilespmem:s6], [sflag:$0x2], $0x10, s13, s28, $0xb8;
	[tilespmem:$0xF220] =	vst v63  }
0x143: {  	_ =	swait.ge [sflag:s9], $0x7D0  }
0x144: {  	[sflag:s9] =	ssyncset.done $0x0  }
0x145: {  	[sflag:s9] =	ssyncadd.s32 $0xFFFFF830  }
0x146: {  	_ =	swait.ge [sflag:s9], $0x7D0  }
0x147: {  	[sflag:s9] =	ssyncset.done $0x0  }
0x148: {  	[sflag:s9] =	ssyncadd.s32 $0xFFFFF830  }
0x149: {  	_ =	swait.ge [sflag:s9], $0x7D0  }
0x14a: {  	[sflag:s9] =	ssyncset.done $0x0  }
0x14b: {  	[sflag:s9] =	ssyncadd.s32 $0xFFFFF830  }
0x14c: {  	_ =	swait.ge [sflag:s9], $0x7D0  }
0x14d: {  	[sflag:s9] =	ssyncset.done $0x0  }
0x14e: {  	[sflag:s9] =	ssyncadd.s32 $0xFFFFF830  }
0x14f: {  	_ =	swait.ge [sflag:s9], $0x7D0  }
0x150: {  	[sflag:s9] =	ssyncset.done $0x0  }
0x151: {  	[sflag:s9] =	ssyncadd.s32 $0xFFFFF830  }
0x152: {  	_ =	swait.ge [sflag:s9], $0x7D0  }
0x153: {  	[sflag:s9] =	ssyncset.done $0x0  }
0x154: {  	[sflag:s9] =	ssyncadd.s32 $0xFFFFF830  }
0x155: {  	_ =	swait.ge [sflag:s9], $0x7D0  }
0x156: {  	[sflag:s9] =	ssyncset.done $0x0  }
0x157: {  	[sflag:s9] =	ssyncadd.s32 $0xFFFFF830  }
0x158: {  	_ =	swait.ge [sflag:s9], $0x7D0  }
0x159: {  	[sflag:s9] =	ssyncset.done $0x0  }
0x15a: {  	[sflag:s9] =	ssyncadd.s32 $0xFFFFF830  }
0x15b: {  	_ =	swait.ge [sflag:s9], $0x7D0  }
0x15c: {  	[sflag:s9] =	ssyncset.done $0x0  }
0x15d: {  	[sflag:s9] =	ssyncadd.s32 $0xFFFFF830  }
0x15e: {  	_ =	swait.ge [sflag:s9], $0x7D0  }
0x15f: {  	[sflag:s9] =	ssyncset.done $0x0  }
0x160: {  	[sflag:s9] =	ssyncadd.s32 $0xFFFFF830  }
0x161: {  	[bflag:$0x0] =	sbarrier.arrive $0xFFFF  }
0x162: {  	s14 =	rddreg [dreg:$0x7]  }
0x163: {  	[hbm:s14], [sflag:s23] =	dma.local [spmem:s25], $0x500  }
0x164: {  	_ =	swait.ge [sflag:s21], $0x500  }
0x165: {  	s10 =	sadd.s32 $0x1, s10;
	s15 =	rddreg [dreg:$0x8]  }
0x166: {  	p0 =	sne.s32 s10, s15  }
.Ltmp2:
0x167: {  	_ = 	snop;
	(pc) =	sbr.rel @p0 .LBB2_1-.Ltmp2, $3  }
0x168: {  	_ =	sdelay $0x1  }
0x169: {  	[sflag:s21] =	ssyncset.done $0x0  }
0x16a: {  	[sflag:s21] =	ssyncadd.s32 $0xFFFFFB00  }
0x16b: {  	_ =	sfence.sel $0x180000  }
0x16c: {  	[bflag:$0x0] =	sbarrier.arrive $0xFFFF  }
0x16d: {  	_ =	strace $0x9000004A  }
0x16e: {  	s0 =	stileid.u32;
	[bflag:$0x2] =	sbarrier.arrive $0xFFFF  }
0x16f: {  	p0 =	sne.s32 s0, $0x0;
	s0 =	rddreg [dreg:$0x3]  }
0x170: {  	s0 =	sadd.s32 @!p0 $0x100000, s0  }
0x171: {  	[sflag:s0] =	ssyncadd.tile.s32 @!p0 $0x1;
	_ =	shalt  }
.Lfunc_end2:
_tile_overlayer_lowered:
.L_overlay_start_2:
0x172: {  	(tag) =	ssettag $0x2  }
0x173: {  	s0 =	rddreg [dreg:$0x0];
	s2 =	stileid.u32  }
0x174: {  	s1 =	rddreg [dreg:$0x1];
	p0 =	sne.s32 s2, $0x0  }
0x175: {  	s3 =	rddreg [dreg:$0x2];
	[bflag:$0x3] =	sbarrier.arrive $0xFFFF;
	s2 =	simm.s32 @!p0 $0x1C03  }
0x176: {  	[timem:s3], [sflag:s2] =	dma.local @!p0 [hbm:s0], s1  }
0x177: {  	s0 =	simm.s32 @!p0 $0x3  }
0x178: {  	_ =	swait.ge @!p0 [sflag:s0], s1  }
0x179: {  	s1 =	ssub.s32 @!p0 $0x0, s1;
	[sflag:s0] =	ssyncset.done @!p0 $0x0  }
0x17a: {  	[sflag:s0] =	ssyncadd.s32 @!p0 s1  }
0x17b: {  	[bflag:$0x3] =	sbarrier.arrive $0xFFFF  }
0x17c: {  	_ =	shalt  }

</sc_bundles>
